<compile_context>
chip_gen: v7x
topology: tpu7x:2x2x1
jax: 0.10.2.dev20260603
libtpu: 0.0.44.dev20260713+nightly
codegen_flags: <defaults>
</compile_context>

<pallas_src>
import functools
import jax
import jax.numpy as jnp
from jax import lax
from jax.experimental import pallas as pl
from jax.experimental.pallas import tpu as pltpu
from jax.experimental.pallas import tpu_sc as plsc

D = 64
SCALE = 8.0

NUM_CORES = 2
NUM_SUBCORES = 16
NW = NUM_CORES * NUM_SUBCORES

BATCH = 4096
SEQ = 200
BW = BATCH // NW


def _encoder_fn():
    mesh = plsc.VectorSubcoreMesh(core_axis_name="c", subcore_axis_name="s")

    @functools.partial(
        pl.kernel,
        out_type=jax.ShapeDtypeStruct((SEQ, BATCH, D), jnp.float32),
        mesh=mesh,
        scratch_types=[
            pltpu.VMEM((BW, SEQ), jnp.int32),
            pltpu.VMEM((BW,), jnp.int32),
            pltpu.VMEM((BW,), jnp.int32),
            pltpu.VMEM((BW, D), jnp.float32),
            pltpu.VMEM((BW, D), jnp.float32),
            pltpu.SemaphoreType.DMA,
            pltpu.SemaphoreType.DMA,
        ],
        compiler_params=pltpu.CompilerParams(
            use_tc_tiling_on_sc=False, needs_layout_passes=False),
    )
    def enc_kernel(x_hbm, table_hbm, out_hbm,
                   xblk, idx0, idx1, rows0, rows1, sem0, sem1):
        wid = lax.axis_index("s") * NUM_CORES + lax.axis_index("c")
        b0 = wid * BW
        idxs = (idx0, idx1)
        rows = (rows0, rows1)
        sems = (sem0, sem1)

        pltpu.sync_copy(x_hbm.at[pl.ds(b0, BW), :], xblk)

        def extract(s, slot):
            for k in range(BW // 16):
                rids = lax.iota(jnp.int32, 16) + (k * 16)
                cids = jnp.full((16,), 0, jnp.int32) + s
                idxs[slot][pl.ds(k * 16, 16)] = plsc.load_gather(
                    xblk, [rids, cids])

        def fire(slot):
            pltpu.async_copy(table_hbm.at[idxs[slot]], rows[slot], sems[slot])

        def wait(slot):
            pltpu.make_async_copy(
                table_hbm.at[idxs[slot]], rows[slot], sems[slot]).wait()

        def scale_write(s, slot):
            def row(r, _):
                for j in range(D // 16):
                    sl = (r, pl.ds(j * 16, 16))
                    rows[slot][sl] = rows[slot][sl] * SCALE
                return 0

            lax.fori_loop(0, BW, row, 0)
            pltpu.sync_copy(rows[slot], out_hbm.at[s, pl.ds(b0, BW)])

        extract(0, 0)
        fire(0)

        def pair_body(g, _):
            for b in range(2):
                s = 2 * g + b

                @pl.when(s + 1 < SEQ)
                def _():
                    extract(s + 1, 1 - b)
                    fire(1 - b)

                wait(b)
                scale_write(s, b)
            return 0

        lax.fori_loop(0, SEQ // 2, pair_body, 0)

    return enc_kernel


_ENCODER = _encoder_fn()


def kernel(x, table):
    return _ENCODER(x.astype(jnp.int32), table)

# --- scband reference (transcript-rebuilt; emitter-appended) ---
"""Pipeline reference for scband-encoder-25701084299501 (READ-ONLY COPY).

The authoritative reference and input builder live on the scoring server;
editing this copy changes nothing except your own understanding.
"""

import math
import jax, jax.numpy as jnp
import numpy as np

VOCAB = 1000000
D_MODEL = 64
PADDING_IDX = 0
BATCH = 4096
SEQ = 200


def setup_inputs(seed: int = 0) -> dict:
    key = jax.random.key(seed)
    k_idx, k_tab = jax.random.split(key)
    x = jax.random.randint(k_idx, (BATCH, SEQ), 0, VOCAB, dtype=jnp.int64) if jax.config.jax_enable_x64 else jax.random.randint(k_idx, (BATCH, SEQ), 0, VOCAB, dtype=jnp.int32)
    table = jax.random.normal(k_tab, (VOCAB, D_MODEL), dtype=jnp.float32)
    # nn.Embedding with padding_idx initializes that row to zeros
    table = table.at[PADDING_IDX].set(0.0)
    return {"x": x, "table": table}


def reference(x, table):
    # k_mask = x == padding_idx (side-effect in torch module; computed but not returned)
    k_mask = x == PADDING_IDX
    emb = jnp.take(table, x, axis=0) * math.sqrt(D_MODEL)
    # dropout p=0.0 -> identity
    out = jnp.transpose(emb, (1, 0, 2))  # (seq, batch, d_model)
    return out

if __name__ == "__main__":
    import jax
    _d = setup_inputs()
    print(jax.jit(kernel)(*tuple(_d.values())))

</pallas_src>

<mosaic_0001>
#map = affine_map<(d0, d1) -> (0, 0)>
#map1 = affine_map<(d0, d1) -> (0, 0, 0)>
module attributes {stable_mosaic.version = 14 : i64} {
  func.func @enc_kernel(%arg0: i32, %arg1: i32, %arg2: memref<4096x200xi32, #tpu.memory_space<hbm>>, %arg3: memref<1000000x64xf32, #tpu.memory_space<hbm>>, %arg4: memref<200x4096x64xf32, #tpu.memory_space<hbm>>, %arg5: memref<128x200xi32, #tpu.memory_space<vmem>>, %arg6: memref<128xi32, #tpu.memory_space<vmem>>, %arg7: memref<128xi32, #tpu.memory_space<vmem>>, %arg8: memref<128x64xf32, #tpu.memory_space<vmem>>, %arg9: memref<128x64xf32, #tpu.memory_space<vmem>>, %arg10: memref<!tpu.dma_semaphore, #tpu.memory_space<semaphore_mem>>, %arg11: memref<!tpu.dma_semaphore, #tpu.memory_space<semaphore_mem>>) attributes {dimension_semantics = [#tpu.dimension_semantics<core_parallel>, #tpu.dimension_semantics<subcore_parallel>], iteration_bounds = array<i64: 2, 16>, scalar_prefetch = 0 : i64, scratch_operands = 7 : i64, tpu.core_type = #tpu.core_type<sc_vector_subcore>, window_params = [{transform_indices = #map}, {transform_indices = #map}, {transform_indices = #map1}]} {
    %mul3A = arith.constant 2 : i32
    %mul3A_0 = arith.muli %arg1, %mul3A : i32
    %add3A = arith.addi %mul3A_0, %arg0 : i32
    %mul3A_1 = arith.constant 128 : i32
    %mul3A_2 = arith.muli %add3A, %mul3A_1 : i32
    "tpu.region"() ({
      %run_scoped3A = tpu.sem_alloc : memref<!tpu.dma_semaphore, #tpu.memory_space<semaphore_mem>>
      %dma_start3A_103 = arith.constant 0 : i32
      %dma_start3A_104 = tpu.memref_slice %arg2[%mul3A_2, %dma_start3A_103] : memref<4096x200xi32, #tpu.memory_space<hbm>> -> memref<128x200xi32, #tpu.memory_space<hbm>>
      %dma_start3A_105 = arith.constant 0 : i32
      %dma_start3A_106 = tpu.memref_slice %arg2[%mul3A_2, %dma_start3A_105] : memref<4096x200xi32, #tpu.memory_space<hbm>> -> memref<128x200xi32, #tpu.memory_space<hbm>>
      tpu.enqueue_dma source(%dma_start3A_106 : memref<128x200xi32, #tpu.memory_space<hbm>>) target(%arg5 : memref<128x200xi32, #tpu.memory_space<vmem>>) target_semaphore(%run_scoped3A : memref<!tpu.dma_semaphore, #tpu.memory_space<semaphore_mem>>)
      %dma_wait3A = arith.constant 0 : i32
      %dma_wait3A_107 = tpu.memref_slice %arg2[%mul3A_2, %dma_wait3A] : memref<4096x200xi32, #tpu.memory_space<hbm>> -> memref<128x200xi32, #tpu.memory_space<hbm>>
      %dma_wait3A_108 = arith.constant 0 : i32
      %dma_wait3A_109 = tpu.memref_slice %arg2[%mul3A_2, %dma_wait3A_108] : memref<4096x200xi32, #tpu.memory_space<hbm>> -> memref<128x200xi32, #tpu.memory_space<hbm>>
      tpu.wait_dma2 semaphore(%run_scoped3A : memref<!tpu.dma_semaphore, #tpu.memory_space<semaphore_mem>>) src(%dma_wait3A_109 : memref<128x200xi32, #tpu.memory_space<hbm>>) dst(%arg5 : memref<128x200xi32, #tpu.memory_space<vmem>>)
      tpu.yield
    }) : () -> ()
    %iota3A = tpu.iota {dimensions = array<i32: 0>} : vector<16xi32>
    %add3A_3 = arith.constant 0 : i32
    %add3A_4 = vector.broadcast %add3A_3 : i32 to vector<16xi32>
    %add3A_5 = arith.addi %iota3A, %add3A_4 : vector<16xi32>
    %broadcast_in_dim3A = arith.constant 0 : i32
    %broadcast_in_dim3A_6 = vector.broadcast %broadcast_in_dim3A : i32 to vector<16xi32>
    %add3A_7 = arith.constant 0 : i32
    %add3A_8 = vector.broadcast %add3A_7 : i32 to vector<16xi32>
    %add3A_9 = arith.addi %broadcast_in_dim3A_6, %add3A_8 : vector<16xi32>
    %gather3A = tpu.vector_load_idx %arg5[%add3A_5, %add3A_9] : memref<128x200xi32, #tpu.memory_space<vmem>>[vector<16xi32>, vector<16xi32>], vector<16xi32>,
    %swap3A = arith.constant 0 : index
    %swap3A_10 = tpu.vector_load %arg6[%swap3A] {strides = array<i32>} : memref<128xi32, #tpu.memory_space<vmem>>, vector<16xi32>,
    tpu.vector_store %arg6[%swap3A], %gather3A {strides = array<i32>} : memref<128xi32, #tpu.memory_space<vmem>>, vector<16xi32>,
    %iota3A_11 = tpu.iota {dimensions = array<i32: 0>} : vector<16xi32>
    %add3A_12 = arith.constant 16 : i32
    %add3A_13 = vector.broadcast %add3A_12 : i32 to vector<16xi32>
    %add3A_14 = arith.addi %iota3A_11, %add3A_13 : vector<16xi32>
    %broadcast_in_dim3A_15 = arith.constant 0 : i32
    %broadcast_in_dim3A_16 = vector.broadcast %broadcast_in_dim3A_15 : i32 to vector<16xi32>
    %add3A_17 = arith.constant 0 : i32
    %add3A_18 = vector.broadcast %add3A_17 : i32 to vector<16xi32>
    %add3A_19 = arith.addi %broadcast_in_dim3A_16, %add3A_18 : vector<16xi32>
    %gather3A_20 = tpu.vector_load_idx %arg5[%add3A_14, %add3A_19] : memref<128x200xi32, #tpu.memory_space<vmem>>[vector<16xi32>, vector<16xi32>], vector<16xi32>,
    %swap3A_21 = arith.constant 16 : index
    %swap3A_22 = tpu.vector_load %arg6[%swap3A_21] {strides = array<i32>} : memref<128xi32, #tpu.memory_space<vmem>>, vector<16xi32>,
    tpu.vector_store %arg6[%swap3A_21], %gather3A_20 {strides = array<i32>} : memref<128xi32, #tpu.memory_space<vmem>>, vector<16xi32>,
    %iota3A_23 = tpu.iota {dimensions = array<i32: 0>} : vector<16xi32>
    %add3A_24 = arith.constant 32 : i32
    %add3A_25 = vector.broadcast %add3A_24 : i32 to vector<16xi32>
    %add3A_26 = arith.addi %iota3A_23, %add3A_25 : vector<16xi32>
    %broadcast_in_dim3A_27 = arith.constant 0 : i32
    %broadcast_in_dim3A_28 = vector.broadcast %broadcast_in_dim3A_27 : i32 to vector<16xi32>
    %add3A_29 = arith.constant 0 : i32
    %add3A_30 = vector.broadcast %add3A_29 : i32 to vector<16xi32>
    %add3A_31 = arith.addi %broadcast_in_dim3A_28, %add3A_30 : vector<16xi32>
    %gather3A_32 = tpu.vector_load_idx %arg5[%add3A_26, %add3A_31] : memref<128x200xi32, #tpu.memory_space<vmem>>[vector<16xi32>, vector<16xi32>], vector<16xi32>,
    %swap3A_33 = arith.constant 32 : index
    %swap3A_34 = tpu.vector_load %arg6[%swap3A_33] {strides = array<i32>} : memref<128xi32, #tpu.memory_space<vmem>>, vector<16xi32>,
    tpu.vector_store %arg6[%swap3A_33], %gather3A_32 {strides = array<i32>} : memref<128xi32, #tpu.memory_space<vmem>>, vector<16xi32>,
    %iota3A_35 = tpu.iota {dimensions = array<i32: 0>} : vector<16xi32>
    %add3A_36 = arith.constant 48 : i32
    %add3A_37 = vector.broadcast %add3A_36 : i32 to vector<16xi32>
    %add3A_38 = arith.addi %iota3A_35, %add3A_37 : vector<16xi32>
    %broadcast_in_dim3A_39 = arith.constant 0 : i32
    %broadcast_in_dim3A_40 = vector.broadcast %broadcast_in_dim3A_39 : i32 to vector<16xi32>
    %add3A_41 = arith.constant 0 : i32
    %add3A_42 = vector.broadcast %add3A_41 : i32 to vector<16xi32>
    %add3A_43 = arith.addi %broadcast_in_dim3A_40, %add3A_42 : vector<16xi32>
    %gather3A_44 = tpu.vector_load_idx %arg5[%add3A_38, %add3A_43] : memref<128x200xi32, #tpu.memory_space<vmem>>[vector<16xi32>, vector<16xi32>], vector<16xi32>,
    %swap3A_45 = arith.constant 48 : index
    %swap3A_46 = tpu.vector_load %arg6[%swap3A_45] {strides = array<i32>} : memref<128xi32, #tpu.memory_space<vmem>>, vector<16xi32>,
    tpu.vector_store %arg6[%swap3A_45], %gather3A_44 {strides = array<i32>} : memref<128xi32, #tpu.memory_space<vmem>>, vector<16xi32>,
    %iota3A_47 = tpu.iota {dimensions = array<i32: 0>} : vector<16xi32>
    %add3A_48 = arith.constant 64 : i32
    %add3A_49 = vector.broadcast %add3A_48 : i32 to vector<16xi32>
    %add3A_50 = arith.addi %iota3A_47, %add3A_49 : vector<16xi32>
    %broadcast_in_dim3A_51 = arith.constant 0 : i32
    %broadcast_in_dim3A_52 = vector.broadcast %broadcast_in_dim3A_51 : i32 to vector<16xi32>
    %add3A_53 = arith.constant 0 : i32
    %add3A_54 = vector.broadcast %add3A_53 : i32 to vector<16xi32>
    %add3A_55 = arith.addi %broadcast_in_dim3A_52, %add3A_54 : vector<16xi32>
    %gather3A_56 = tpu.vector_load_idx %arg5[%add3A_50, %add3A_55] : memref<128x200xi32, #tpu.memory_space<vmem>>[vector<16xi32>, vector<16xi32>], vector<16xi32>,
    %swap3A_57 = arith.constant 64 : index
    %swap3A_58 = tpu.vector_load %arg6[%swap3A_57] {strides = array<i32>} : memref<128xi32, #tpu.memory_space<vmem>>, vector<16xi32>,
    tpu.vector_store %arg6[%swap3A_57], %gather3A_56 {strides = array<i32>} : memref<128xi32, #tpu.memory_space<vmem>>, vector<16xi32>,
    %iota3A_59 = tpu.iota {dimensions = array<i32: 0>} : vector<16xi32>
    %add3A_60 = arith.constant 80 : i32
    %add3A_61 = vector.broadcast %add3A_60 : i32 to vector<16xi32>
    %add3A_62 = arith.addi %iota3A_59, %add3A_61 : vector<16xi32>
    %broadcast_in_dim3A_63 = arith.constant 0 : i32
    %broadcast_in_dim3A_64 = vector.broadcast %broadcast_in_dim3A_63 : i32 to vector<16xi32>
    %add3A_65 = arith.constant 0 : i32
    %add3A_66 = vector.broadcast %add3A_65 : i32 to vector<16xi32>
    %add3A_67 = arith.addi %broadcast_in_dim3A_64, %add3A_66 : vector<16xi32>
    %gather3A_68 = tpu.vector_load_idx %arg5[%add3A_62, %add3A_67] : memref<128x200xi32, #tpu.memory_space<vmem>>[vector<16xi32>, vector<16xi32>], vector<16xi32>,
    %swap3A_69 = arith.constant 80 : index
    %swap3A_70 = tpu.vector_load %arg6[%swap3A_69] {strides = array<i32>} : memref<128xi32, #tpu.memory_space<vmem>>, vector<16xi32>,
    tpu.vector_store %arg6[%swap3A_69], %gather3A_68 {strides = array<i32>} : memref<128xi32, #tpu.memory_space<vmem>>, vector<16xi32>,
    %iota3A_71 = tpu.iota {dimensions = array<i32: 0>} : vector<16xi32>
    %add3A_72 = arith.constant 96 : i32
    %add3A_73 = vector.broadcast %add3A_72 : i32 to vector<16xi32>
    %add3A_74 = arith.addi %iota3A_71, %add3A_73 : vector<16xi32>
    %broadcast_in_dim3A_75 = arith.constant 0 : i32
    %broadcast_in_dim3A_76 = vector.broadcast %broadcast_in_dim3A_75 : i32 to vector<16xi32>
    %add3A_77 = arith.constant 0 : i32
    %add3A_78 = vector.broadcast %add3A_77 : i32 to vector<16xi32>
    %add3A_79 = arith.addi %broadcast_in_dim3A_76, %add3A_78 : vector<16xi32>
    %gather3A_80 = tpu.vector_load_idx %arg5[%add3A_74, %add3A_79] : memref<128x200xi32, #tpu.memory_space<vmem>>[vector<16xi32>, vector<16xi32>], vector<16xi32>,
    %swap3A_81 = arith.constant 96 : index
    %swap3A_82 = tpu.vector_load %arg6[%swap3A_81] {strides = array<i32>} : memref<128xi32, #tpu.memory_space<vmem>>, vector<16xi32>,
    tpu.vector_store %arg6[%swap3A_81], %gather3A_80 {strides = array<i32>} : memref<128xi32, #tpu.memory_space<vmem>>, vector<16xi32>,
    %iota3A_83 = tpu.iota {dimensions = array<i32: 0>} : vector<16xi32>
    %add3A_84 = arith.constant 112 : i32
    %add3A_85 = vector.broadcast %add3A_84 : i32 to vector<16xi32>
    %add3A_86 = arith.addi %iota3A_83, %add3A_85 : vector<16xi32>
    %broadcast_in_dim3A_87 = arith.constant 0 : i32
    %broadcast_in_dim3A_88 = vector.broadcast %broadcast_in_dim3A_87 : i32 to vector<16xi32>
    %add3A_89 = arith.constant 0 : i32
    %add3A_90 = vector.broadcast %add3A_89 : i32 to vector<16xi32>
    %add3A_91 = arith.addi %broadcast_in_dim3A_88, %add3A_90 : vector<16xi32>
    %gather3A_92 = tpu.vector_load_idx %arg5[%add3A_86, %add3A_91] : memref<128x200xi32, #tpu.memory_space<vmem>>[vector<16xi32>, vector<16xi32>], vector<16xi32>,
    %swap3A_93 = arith.constant 112 : index
    %swap3A_94 = tpu.vector_load %arg6[%swap3A_93] {strides = array<i32>} : memref<128xi32, #tpu.memory_space<vmem>>, vector<16xi32>,
    tpu.vector_store %arg6[%swap3A_93], %gather3A_92 {strides = array<i32>} : memref<128xi32, #tpu.memory_space<vmem>>, vector<16xi32>,
    %dma_start3A = arith.constant 0 : i32
    %dma_start3A_95 = arith.constant 0 : i32
    %dma_start3A_96 = tpu.memref_slice %arg3[%dma_start3A, %dma_start3A_95] : memref<1000000x64xf32, #tpu.memory_space<hbm>> -> memref<1000000x64xf32, #tpu.memory_space<hbm>>
    tpu.enqueue_indirect_dma source(%dma_start3A_96 : memref<1000000x64xf32, #tpu.memory_space<hbm>>) target(%arg8 : memref<128x64xf32, #tpu.memory_space<vmem>>) offsets(%arg6 : memref<128xi32, #tpu.memory_space<vmem>>) semaphore(%arg10 : memref<!tpu.dma_semaphore, #tpu.memory_space<semaphore_mem>>)
    %scan3A = arith.constant 0 : i32
    %scan3A_97 = arith.constant 0 : i32
    %scan3A_98 = arith.constant 100 : i32
    %scan3A_99 = arith.addi %scan3A_97, %scan3A_98 : i32
    %scan3A_100 = arith.constant 1 : i32
    %scan3A_101 = scf.for %scan3A_103 = %scan3A_97 to %scan3A_99 step %scan3A_100 iter_args(%scan3A_104 = %scan3A) -> (i32)  : i32 {
      %mul3A_105 = arith.constant 2 : i32
      %mul3A_106 = arith.muli %mul3A_105, %scan3A_103 : i32
      %add3A_107 = arith.constant 0 : i32
      %add3A_108 = arith.addi %mul3A_106, %add3A_107 : i32
      %add3A_109 = arith.constant 1 : i32
      %add3A_110 = arith.addi %add3A_108, %add3A_109 : i32
      %lt3A = arith.constant 200 : i32
      %lt3A_111 = arith.cmpi slt, %add3A_110, %lt3A : i32
      %convert_element_type3A = arith.extui %lt3A_111 : i1 to i32
      %cond3A = arith.constant 0 : i32
      %cond3A_112 = arith.cmpi ne, %convert_element_type3A, %cond3A : i32
      scf.if %cond3A_112 {
        %add3A_144 = arith.constant 1 : i32
        %add3A_145 = arith.addi %add3A_108, %add3A_144 : i32
        %iota3A_146 = tpu.iota {dimensions = array<i32: 0>} : vector<16xi32>
        %add3A_147 = arith.constant 0 : i32
        %add3A_148 = vector.broadcast %add3A_147 : i32 to vector<16xi32>
        %add3A_149 = arith.addi %iota3A_146, %add3A_148 : vector<16xi32>
        %broadcast_in_dim3A_150 = arith.constant 0 : i32
        %broadcast_in_dim3A_151 = vector.broadcast %broadcast_in_dim3A_150 : i32 to vector<16xi32>
        %add3A_152 = vector.broadcast %add3A_145 : i32 to vector<16xi32>
        %add3A_153 = arith.addi %broadcast_in_dim3A_151, %add3A_152 : vector<16xi32>
        %gather3A_154 = tpu.vector_load_idx %arg5[%add3A_149, %add3A_153] : memref<128x200xi32, #tpu.memory_space<vmem>>[vector<16xi32>, vector<16xi32>], vector<16xi32>,
        %swap3A_155 = arith.constant 0 : index
        %swap3A_156 = tpu.vector_load %arg7[%swap3A_155] {strides = array<i32>} : memref<128xi32, #tpu.memory_space<vmem>>, vector<16xi32>,
        tpu.vector_store %arg7[%swap3A_155], %gather3A_154 {strides = array<i32>} : memref<128xi32, #tpu.memory_space<vmem>>, vector<16xi32>,
        %iota3A_157 = tpu.iota {dimensions = array<i32: 0>} : vector<16xi32>
        %add3A_158 = arith.constant 16 : i32
        %add3A_159 = vector.broadcast %add3A_158 : i32 to vector<16xi32>
        %add3A_160 = arith.addi %iota3A_157, %add3A_159 : vector<16xi32>
        %broadcast_in_dim3A_161 = arith.constant 0 : i32
        %broadcast_in_dim3A_162 = vector.broadcast %broadcast_in_dim3A_161 : i32 to vector<16xi32>
        %add3A_163 = vector.broadcast %add3A_145 : i32 to vector<16xi32>
        %add3A_164 = arith.addi %broadcast_in_dim3A_162, %add3A_163 : vector<16xi32>
        %gather3A_165 = tpu.vector_load_idx %arg5[%add3A_160, %add3A_164] : memref<128x200xi32, #tpu.memory_space<vmem>>[vector<16xi32>, vector<16xi32>], vector<16xi32>,
        %swap3A_166 = arith.constant 16 : index
        %swap3A_167 = tpu.vector_load %arg7[%swap3A_166] {strides = array<i32>} : memref<128xi32, #tpu.memory_space<vmem>>, vector<16xi32>,
        tpu.vector_store %arg7[%swap3A_166], %gather3A_165 {strides = array<i32>} : memref<128xi32, #tpu.memory_space<vmem>>, vector<16xi32>,
        %iota3A_168 = tpu.iota {dimensions = array<i32: 0>} : vector<16xi32>
        %add3A_169 = arith.constant 32 : i32
        %add3A_170 = vector.broadcast %add3A_169 : i32 to vector<16xi32>
        %add3A_171 = arith.addi %iota3A_168, %add3A_170 : vector<16xi32>
        %broadcast_in_dim3A_172 = arith.constant 0 : i32
        %broadcast_in_dim3A_173 = vector.broadcast %broadcast_in_dim3A_172 : i32 to vector<16xi32>
        %add3A_174 = vector.broadcast %add3A_145 : i32 to vector<16xi32>
        %add3A_175 = arith.addi %broadcast_in_dim3A_173, %add3A_174 : vector<16xi32>
        %gather3A_176 = tpu.vector_load_idx %arg5[%add3A_171, %add3A_175] : memref<128x200xi32, #tpu.memory_space<vmem>>[vector<16xi32>, vector<16xi32>], vector<16xi32>,
        %swap3A_177 = arith.constant 32 : index
        %swap3A_178 = tpu.vector_load %arg7[%swap3A_177] {strides = array<i32>} : memref<128xi32, #tpu.memory_space<vmem>>, vector<16xi32>,
        tpu.vector_store %arg7[%swap3A_177], %gather3A_176 {strides = array<i32>} : memref<128xi32, #tpu.memory_space<vmem>>, vector<16xi32>,
        %iota3A_179 = tpu.iota {dimensions = array<i32: 0>} : vector<16xi32>
        %add3A_180 = arith.constant 48 : i32
        %add3A_181 = vector.broadcast %add3A_180 : i32 to vector<16xi32>
        %add3A_182 = arith.addi %iota3A_179, %add3A_181 : vector<16xi32>
        %broadcast_in_dim3A_183 = arith.constant 0 : i32
        %broadcast_in_dim3A_184 = vector.broadcast %broadcast_in_dim3A_183 : i32 to vector<16xi32>
        %add3A_185 = vector.broadcast %add3A_145 : i32 to vector<16xi32>
        %add3A_186 = arith.addi %broadcast_in_dim3A_184, %add3A_185 : vector<16xi32>
        %gather3A_187 = tpu.vector_load_idx %arg5[%add3A_182, %add3A_186] : memref<128x200xi32, #tpu.memory_space<vmem>>[vector<16xi32>, vector<16xi32>], vector<16xi32>,
        %swap3A_188 = arith.constant 48 : index
        %swap3A_189 = tpu.vector_load %arg7[%swap3A_188] {strides = array<i32>} : memref<128xi32, #tpu.memory_space<vmem>>, vector<16xi32>,
        tpu.vector_store %arg7[%swap3A_188], %gather3A_187 {strides = array<i32>} : memref<128xi32, #tpu.memory_space<vmem>>, vector<16xi32>,
        %iota3A_190 = tpu.iota {dimensions = array<i32: 0>} : vector<16xi32>
        %add3A_191 = arith.constant 64 : i32
        %add3A_192 = vector.broadcast %add3A_191 : i32 to vector<16xi32>
        %add3A_193 = arith.addi %iota3A_190, %add3A_192 : vector<16xi32>
        %broadcast_in_dim3A_194 = arith.constant 0 : i32
        %broadcast_in_dim3A_195 = vector.broadcast %broadcast_in_dim3A_194 : i32 to vector<16xi32>
        %add3A_196 = vector.broadcast %add3A_145 : i32 to vector<16xi32>
        %add3A_197 = arith.addi %broadcast_in_dim3A_195, %add3A_196 : vector<16xi32>
        %gather3A_198 = tpu.vector_load_idx %arg5[%add3A_193, %add3A_197] : memref<128x200xi32, #tpu.memory_space<vmem>>[vector<16xi32>, vector<16xi32>], vector<16xi32>,
        %swap3A_199 = arith.constant 64 : index
        %swap3A_200 = tpu.vector_load %arg7[%swap3A_199] {strides = array<i32>} : memref<128xi32, #tpu.memory_space<vmem>>, vector<16xi32>,
        tpu.vector_store %arg7[%swap3A_199], %gather3A_198 {strides = array<i32>} : memref<128xi32, #tpu.memory_space<vmem>>, vector<16xi32>,
        %iota3A_201 = tpu.iota {dimensions = array<i32: 0>} : vector<16xi32>
        %add3A_202 = arith.constant 80 : i32
        %add3A_203 = vector.broadcast %add3A_202 : i32 to vector<16xi32>
        %add3A_204 = arith.addi %iota3A_201, %add3A_203 : vector<16xi32>
        %broadcast_in_dim3A_205 = arith.constant 0 : i32
        %broadcast_in_dim3A_206 = vector.broadcast %broadcast_in_dim3A_205 : i32 to vector<16xi32>
        %add3A_207 = vector.broadcast %add3A_145 : i32 to vector<16xi32>
        %add3A_208 = arith.addi %broadcast_in_dim3A_206, %add3A_207 : vector<16xi32>
        %gather3A_209 = tpu.vector_load_idx %arg5[%add3A_204, %add3A_208] : memref<128x200xi32, #tpu.memory_space<vmem>>[vector<16xi32>, vector<16xi32>], vector<16xi32>,
        %swap3A_210 = arith.constant 80 : index
        %swap3A_211 = tpu.vector_load %arg7[%swap3A_210] {strides = array<i32>} : memref<128xi32, #tpu.memory_space<vmem>>, vector<16xi32>,
        tpu.vector_store %arg7[%swap3A_210], %gather3A_209 {strides = array<i32>} : memref<128xi32, #tpu.memory_space<vmem>>, vector<16xi32>,
        %iota3A_212 = tpu.iota {dimensions = array<i32: 0>} : vector<16xi32>
        %add3A_213 = arith.constant 96 : i32
        %add3A_214 = vector.broadcast %add3A_213 : i32 to vector<16xi32>
        %add3A_215 = arith.addi %iota3A_212, %add3A_214 : vector<16xi32>
        %broadcast_in_dim3A_216 = arith.constant 0 : i32
        %broadcast_in_dim3A_217 = vector.broadcast %broadcast_in_dim3A_216 : i32 to vector<16xi32>
        %add3A_218 = vector.broadcast %add3A_145 : i32 to vector<16xi32>
        %add3A_219 = arith.addi %broadcast_in_dim3A_217, %add3A_218 : vector<16xi32>
        %gather3A_220 = tpu.vector_load_idx %arg5[%add3A_215, %add3A_219] : memref<128x200xi32, #tpu.memory_space<vmem>>[vector<16xi32>, vector<16xi32>], vector<16xi32>,
        %swap3A_221 = arith.constant 96 : index
        %swap3A_222 = tpu.vector_load %arg7[%swap3A_221] {strides = array<i32>} : memref<128xi32, #tpu.memory_space<vmem>>, vector<16xi32>,
        tpu.vector_store %arg7[%swap3A_221], %gather3A_220 {strides = array<i32>} : memref<128xi32, #tpu.memory_space<vmem>>, vector<16xi32>,
        %iota3A_223 = tpu.iota {dimensions = array<i32: 0>} : vector<16xi32>
        %add3A_224 = arith.constant 112 : i32
        %add3A_225 = vector.broadcast %add3A_224 : i32 to vector<16xi32>
        %add3A_226 = arith.addi %iota3A_223, %add3A_225 : vector<16xi32>
        %broadcast_in_dim3A_227 = arith.constant 0 : i32
        %broadcast_in_dim3A_228 = vector.broadcast %broadcast_in_dim3A_227 : i32 to vector<16xi32>
        %add3A_229 = vector.broadcast %add3A_145 : i32 to vector<16xi32>
        %add3A_230 = arith.addi %broadcast_in_dim3A_228, %add3A_229 : vector<16xi32>
        %gather3A_231 = tpu.vector_load_idx %arg5[%add3A_226, %add3A_230] : memref<128x200xi32, #tpu.memory_space<vmem>>[vector<16xi32>, vector<16xi32>], vector<16xi32>,
        %swap3A_232 = arith.constant 112 : index
        %swap3A_233 = tpu.vector_load %arg7[%swap3A_232] {strides = array<i32>} : memref<128xi32, #tpu.memory_space<vmem>>, vector<16xi32>,
        tpu.vector_store %arg7[%swap3A_232], %gather3A_231 {strides = array<i32>} : memref<128xi32, #tpu.memory_space<vmem>>, vector<16xi32>,
        %dma_start3A_234 = arith.constant 0 : i32
        %dma_start3A_235 = arith.constant 0 : i32
        %dma_start3A_236 = tpu.memref_slice %arg3[%dma_start3A_234, %dma_start3A_235] : memref<1000000x64xf32, #tpu.memory_space<hbm>> -> memref<1000000x64xf32, #tpu.memory_space<hbm>>
        tpu.enqueue_indirect_dma source(%dma_start3A_236 : memref<1000000x64xf32, #tpu.memory_space<hbm>>) target(%arg9 : memref<128x64xf32, #tpu.memory_space<vmem>>) offsets(%arg7 : memref<128xi32, #tpu.memory_space<vmem>>) semaphore(%arg11 : memref<!tpu.dma_semaphore, #tpu.memory_space<semaphore_mem>>)
      } else {
      }
      %dma_wait3A = arith.constant 0 : i32
      %dma_wait3A_113 = arith.constant 0 : i32
      %dma_wait3A_114 = tpu.memref_slice %arg3[%dma_wait3A, %dma_wait3A_113] : memref<1000000x64xf32, #tpu.memory_space<hbm>> -> memref<1000000x64xf32, #tpu.memory_space<hbm>>
      tpu.wait_indirect_dma semaphore(%arg10 : memref<!tpu.dma_semaphore, #tpu.memory_space<semaphore_mem>>) src(%dma_wait3A_114 : memref<1000000x64xf32, #tpu.memory_space<hbm>>) dst(%arg8 : memref<128x64xf32, #tpu.memory_space<vmem>>)
      %scan3A_115 = arith.constant 0 : i32
      %scan3A_116 = arith.constant 0 : i32
      %scan3A_117 = arith.constant 128 : i32
      %scan3A_118 = arith.addi %scan3A_116, %scan3A_117 : i32
      %scan3A_119 = arith.constant 1 : i32
      %scan3A_120 = scf.for %scan3A_144 = %scan3A_116 to %scan3A_118 step %scan3A_119 iter_args(%scan3A_145 = %scan3A_115) -> (i32)  : i32 {
        %get3A = arith.index_cast %scan3A_144 : i32 to index
        %get3A_146 = arith.constant 0 : index
        %get3A_147 = tpu.vector_load %arg8[%get3A, %get3A_146] {strides = array<i32>} : memref<128x64xf32, #tpu.memory_space<vmem>>, vector<16xf32>,
        %mul3A_148 = arith.constant 8.000000e+00 : f32
        %mul3A_149 = vector.broadcast %mul3A_148 : f32 to vector<16xf32>
        %mul3A_150 = arith.mulf %get3A_147, %mul3A_149 : vector<16xf32>
        %swap3A_151 = arith.index_cast %scan3A_144 : i32 to index
        %swap3A_152 = arith.constant 0 : index
        %swap3A_153 = tpu.vector_load %arg8[%swap3A_151, %swap3A_152] {strides = array<i32>} : memref<128x64xf32, #tpu.memory_space<vmem>>, vector<16xf32>,
        tpu.vector_store %arg8[%swap3A_151, %swap3A_152], %mul3A_150 {strides = array<i32>} : memref<128x64xf32, #tpu.memory_space<vmem>>, vector<16xf32>,
        %get3A_154 = arith.index_cast %scan3A_144 : i32 to index
        %get3A_155 = arith.constant 16 : index
        %get3A_156 = tpu.vector_load %arg8[%get3A_154, %get3A_155] {strides = array<i32>} : memref<128x64xf32, #tpu.memory_space<vmem>>, vector<16xf32>,
        %mul3A_157 = arith.constant 8.000000e+00 : f32
        %mul3A_158 = vector.broadcast %mul3A_157 : f32 to vector<16xf32>
        %mul3A_159 = arith.mulf %get3A_156, %mul3A_158 : vector<16xf32>
        %swap3A_160 = arith.index_cast %scan3A_144 : i32 to index
        %swap3A_161 = arith.constant 16 : index
        %swap3A_162 = tpu.vector_load %arg8[%swap3A_160, %swap3A_161] {strides = array<i32>} : memref<128x64xf32, #tpu.memory_space<vmem>>, vector<16xf32>,
        tpu.vector_store %arg8[%swap3A_160, %swap3A_161], %mul3A_159 {strides = array<i32>} : memref<128x64xf32, #tpu.memory_space<vmem>>, vector<16xf32>,
        %get3A_163 = arith.index_cast %scan3A_144 : i32 to index
        %get3A_164 = arith.constant 32 : index
        %get3A_165 = tpu.vector_load %arg8[%get3A_163, %get3A_164] {strides = array<i32>} : memref<128x64xf32, #tpu.memory_space<vmem>>, vector<16xf32>,
        %mul3A_166 = arith.constant 8.000000e+00 : f32
        %mul3A_167 = vector.broadcast %mul3A_166 : f32 to vector<16xf32>
        %mul3A_168 = arith.mulf %get3A_165, %mul3A_167 : vector<16xf32>
        %swap3A_169 = arith.index_cast %scan3A_144 : i32 to index
        %swap3A_170 = arith.constant 32 : index
        %swap3A_171 = tpu.vector_load %arg8[%swap3A_169, %swap3A_170] {strides = array<i32>} : memref<128x64xf32, #tpu.memory_space<vmem>>, vector<16xf32>,
        tpu.vector_store %arg8[%swap3A_169, %swap3A_170], %mul3A_168 {strides = array<i32>} : memref<128x64xf32, #tpu.memory_space<vmem>>, vector<16xf32>,
        %get3A_172 = arith.index_cast %scan3A_144 : i32 to index
        %get3A_173 = arith.constant 48 : index
        %get3A_174 = tpu.vector_load %arg8[%get3A_172, %get3A_173] {strides = array<i32>} : memref<128x64xf32, #tpu.memory_space<vmem>>, vector<16xf32>,
        %mul3A_175 = arith.constant 8.000000e+00 : f32
        %mul3A_176 = vector.broadcast %mul3A_175 : f32 to vector<16xf32>
        %mul3A_177 = arith.mulf %get3A_174, %mul3A_176 : vector<16xf32>
        %swap3A_178 = arith.index_cast %scan3A_144 : i32 to index
        %swap3A_179 = arith.constant 48 : index
        %swap3A_180 = tpu.vector_load %arg8[%swap3A_178, %swap3A_179] {strides = array<i32>} : memref<128x64xf32, #tpu.memory_space<vmem>>, vector<16xf32>,
        tpu.vector_store %arg8[%swap3A_178, %swap3A_179], %mul3A_177 {strides = array<i32>} : memref<128x64xf32, #tpu.memory_space<vmem>>, vector<16xf32>,
        %scan3A_181 = arith.constant 0 : i32
        scf.yield %scan3A_181 : i32
      }
      %scan3A_121 = arith.constant 128 : i32
      "tpu.region"() ({
        %run_scoped3A = tpu.sem_alloc : memref<!tpu.dma_semaphore, #tpu.memory_space<semaphore_mem>>
        %dma_start3A_144 = arith.constant 0 : i32
        %dma_start3A_145 = tpu.memref_slice %arg4[%add3A_108, %mul3A_2, %dma_start3A_144] : memref<200x4096x64xf32, #tpu.memory_space<hbm>> -> memref<1x128x64xf32, #tpu.memory_space<hbm>>
        %dma_start3A_146 = tpu.memref_squeeze %dma_start3A_145 : memref<1x128x64xf32, #tpu.memory_space<hbm>> -> memref<128x64xf32, #tpu.memory_space<hbm>>
        %dma_start3A_147 = arith.constant 0 : i32
        %dma_start3A_148 = tpu.memref_slice %arg4[%add3A_108, %mul3A_2, %dma_start3A_147] : memref<200x4096x64xf32, #tpu.memory_space<hbm>> -> memref<1x128x64xf32, #tpu.memory_space<hbm>>
        %dma_start3A_149 = tpu.memref_squeeze %dma_start3A_148 : memref<1x128x64xf32, #tpu.memory_space<hbm>> -> memref<128x64xf32, #tpu.memory_space<hbm>>
        tpu.enqueue_dma source(%arg8 : memref<128x64xf32, #tpu.memory_space<vmem>>) target(%dma_start3A_149 : memref<128x64xf32, #tpu.memory_space<hbm>>) target_semaphore(%run_scoped3A : memref<!tpu.dma_semaphore, #tpu.memory_space<semaphore_mem>>)
        %dma_wait3A_150 = arith.constant 0 : i32
        %dma_wait3A_151 = tpu.memref_slice %arg4[%add3A_108, %mul3A_2, %dma_wait3A_150] : memref<200x4096x64xf32, #tpu.memory_space<hbm>> -> memref<1x128x64xf32, #tpu.memory_space<hbm>>
        %dma_wait3A_152 = tpu.memref_squeeze %dma_wait3A_151 : memref<1x128x64xf32, #tpu.memory_space<hbm>> -> memref<128x64xf32, #tpu.memory_space<hbm>>
        %dma_wait3A_153 = arith.constant 0 : i32
        %dma_wait3A_154 = tpu.memref_slice %arg4[%add3A_108, %mul3A_2, %dma_wait3A_153] : memref<200x4096x64xf32, #tpu.memory_space<hbm>> -> memref<1x128x64xf32, #tpu.memory_space<hbm>>
        %dma_wait3A_155 = tpu.memref_squeeze %dma_wait3A_154 : memref<1x128x64xf32, #tpu.memory_space<hbm>> -> memref<128x64xf32, #tpu.memory_space<hbm>>
        tpu.wait_dma2 semaphore(%run_scoped3A : memref<!tpu.dma_semaphore, #tpu.memory_space<semaphore_mem>>) src(%arg8 : memref<128x64xf32, #tpu.memory_space<vmem>>) dst(%dma_wait3A_155 : memref<128x64xf32, #tpu.memory_space<hbm>>)
        tpu.yield
      }) : () -> ()
      %mul3A_122 = arith.constant 2 : i32
      %mul3A_123 = arith.muli %mul3A_122, %scan3A_103 : i32
      %add3A_124 = arith.constant 1 : i32
      %add3A_125 = arith.addi %mul3A_123, %add3A_124 : i32
      %add3A_126 = arith.constant 1 : i32
      %add3A_127 = arith.addi %add3A_125, %add3A_126 : i32
      %lt3A_128 = arith.constant 200 : i32
      %lt3A_129 = arith.cmpi slt, %add3A_127, %lt3A_128 : i32
      %convert_element_type3A_130 = arith.extui %lt3A_129 : i1 to i32
      %cond3A_131 = arith.constant 0 : i32
      %cond3A_132 = arith.cmpi ne, %convert_element_type3A_130, %cond3A_131 : i32
      scf.if %cond3A_132 {
        %add3A_144 = arith.constant 1 : i32
        %add3A_145 = arith.addi %add3A_125, %add3A_144 : i32
        %iota3A_146 = tpu.iota {dimensions = array<i32: 0>} : vector<16xi32>
        %add3A_147 = arith.constant 0 : i32
        %add3A_148 = vector.broadcast %add3A_147 : i32 to vector<16xi32>
        %add3A_149 = arith.addi %iota3A_146, %add3A_148 : vector<16xi32>
        %broadcast_in_dim3A_150 = arith.constant 0 : i32
        %broadcast_in_dim3A_151 = vector.broadcast %broadcast_in_dim3A_150 : i32 to vector<16xi32>
        %add3A_152 = vector.broadcast %add3A_145 : i32 to vector<16xi32>
        %add3A_153 = arith.addi %broadcast_in_dim3A_151, %add3A_152 : vector<16xi32>
        %gather3A_154 = tpu.vector_load_idx %arg5[%add3A_149, %add3A_153] : memref<128x200xi32, #tpu.memory_space<vmem>>[vector<16xi32>, vector<16xi32>], vector<16xi32>,
        %swap3A_155 = arith.constant 0 : index
        %swap3A_156 = tpu.vector_load %arg6[%swap3A_155] {strides = array<i32>} : memref<128xi32, #tpu.memory_space<vmem>>, vector<16xi32>,
        tpu.vector_store %arg6[%swap3A_155], %gather3A_154 {strides = array<i32>} : memref<128xi32, #tpu.memory_space<vmem>>, vector<16xi32>,
        %iota3A_157 = tpu.iota {dimensions = array<i32: 0>} : vector<16xi32>
        %add3A_158 = arith.constant 16 : i32
        %add3A_159 = vector.broadcast %add3A_158 : i32 to vector<16xi32>
        %add3A_160 = arith.addi %iota3A_157, %add3A_159 : vector<16xi32>
        %broadcast_in_dim3A_161 = arith.constant 0 : i32
        %broadcast_in_dim3A_162 = vector.broadcast %broadcast_in_dim3A_161 : i32 to vector<16xi32>
        %add3A_163 = vector.broadcast %add3A_145 : i32 to vector<16xi32>
        %add3A_164 = arith.addi %broadcast_in_dim3A_162, %add3A_163 : vector<16xi32>
        %gather3A_165 = tpu.vector_load_idx %arg5[%add3A_160, %add3A_164] : memref<128x200xi32, #tpu.memory_space<vmem>>[vector<16xi32>, vector<16xi32>], vector<16xi32>,
        %swap3A_166 = arith.constant 16 : index
        %swap3A_167 = tpu.vector_load %arg6[%swap3A_166] {strides = array<i32>} : memref<128xi32, #tpu.memory_space<vmem>>, vector<16xi32>,
        tpu.vector_store %arg6[%swap3A_166], %gather3A_165 {strides = array<i32>} : memref<128xi32, #tpu.memory_space<vmem>>, vector<16xi32>,
        %iota3A_168 = tpu.iota {dimensions = array<i32: 0>} : vector<16xi32>
        %add3A_169 = arith.constant 32 : i32
        %add3A_170 = vector.broadcast %add3A_169 : i32 to vector<16xi32>
        %add3A_171 = arith.addi %iota3A_168, %add3A_170 : vector<16xi32>
        %broadcast_in_dim3A_172 = arith.constant 0 : i32
        %broadcast_in_dim3A_173 = vector.broadcast %broadcast_in_dim3A_172 : i32 to vector<16xi32>
        %add3A_174 = vector.broadcast %add3A_145 : i32 to vector<16xi32>
        %add3A_175 = arith.addi %broadcast_in_dim3A_173, %add3A_174 : vector<16xi32>
        %gather3A_176 = tpu.vector_load_idx %arg5[%add3A_171, %add3A_175] : memref<128x200xi32, #tpu.memory_space<vmem>>[vector<16xi32>, vector<16xi32>], vector<16xi32>,
        %swap3A_177 = arith.constant 32 : index
        %swap3A_178 = tpu.vector_load %arg6[%swap3A_177] {strides = array<i32>} : memref<128xi32, #tpu.memory_space<vmem>>, vector<16xi32>,
        tpu.vector_store %arg6[%swap3A_177], %gather3A_176 {strides = array<i32>} : memref<128xi32, #tpu.memory_space<vmem>>, vector<16xi32>,
        %iota3A_179 = tpu.iota {dimensions = array<i32: 0>} : vector<16xi32>
        %add3A_180 = arith.constant 48 : i32
        %add3A_181 = vector.broadcast %add3A_180 : i32 to vector<16xi32>
        %add3A_182 = arith.addi %iota3A_179, %add3A_181 : vector<16xi32>
        %broadcast_in_dim3A_183 = arith.constant 0 : i32
        %broadcast_in_dim3A_184 = vector.broadcast %broadcast_in_dim3A_183 : i32 to vector<16xi32>
        %add3A_185 = vector.broadcast %add3A_145 : i32 to vector<16xi32>
        %add3A_186 = arith.addi %broadcast_in_dim3A_184, %add3A_185 : vector<16xi32>
        %gather3A_187 = tpu.vector_load_idx %arg5[%add3A_182, %add3A_186] : memref<128x200xi32, #tpu.memory_space<vmem>>[vector<16xi32>, vector<16xi32>], vector<16xi32>,
        %swap3A_188 = arith.constant 48 : index
        %swap3A_189 = tpu.vector_load %arg6[%swap3A_188] {strides = array<i32>} : memref<128xi32, #tpu.memory_space<vmem>>, vector<16xi32>,
        tpu.vector_store %arg6[%swap3A_188], %gather3A_187 {strides = array<i32>} : memref<128xi32, #tpu.memory_space<vmem>>, vector<16xi32>,
        %iota3A_190 = tpu.iota {dimensions = array<i32: 0>} : vector<16xi32>
        %add3A_191 = arith.constant 64 : i32
        %add3A_192 = vector.broadcast %add3A_191 : i32 to vector<16xi32>
        %add3A_193 = arith.addi %iota3A_190, %add3A_192 : vector<16xi32>
        %broadcast_in_dim3A_194 = arith.constant 0 : i32
        %broadcast_in_dim3A_195 = vector.broadcast %broadcast_in_dim3A_194 : i32 to vector<16xi32>
        %add3A_196 = vector.broadcast %add3A_145 : i32 to vector<16xi32>
        %add3A_197 = arith.addi %broadcast_in_dim3A_195, %add3A_196 : vector<16xi32>
        %gather3A_198 = tpu.vector_load_idx %arg5[%add3A_193, %add3A_197] : memref<128x200xi32, #tpu.memory_space<vmem>>[vector<16xi32>, vector<16xi32>], vector<16xi32>,
        %swap3A_199 = arith.constant 64 : index
        %swap3A_200 = tpu.vector_load %arg6[%swap3A_199] {strides = array<i32>} : memref<128xi32, #tpu.memory_space<vmem>>, vector<16xi32>,
        tpu.vector_store %arg6[%swap3A_199], %gather3A_198 {strides = array<i32>} : memref<128xi32, #tpu.memory_space<vmem>>, vector<16xi32>,
        %iota3A_201 = tpu.iota {dimensions = array<i32: 0>} : vector<16xi32>
        %add3A_202 = arith.constant 80 : i32
        %add3A_203 = vector.broadcast %add3A_202 : i32 to vector<16xi32>
        %add3A_204 = arith.addi %iota3A_201, %add3A_203 : vector<16xi32>
        %broadcast_in_dim3A_205 = arith.constant 0 : i32
        %broadcast_in_dim3A_206 = vector.broadcast %broadcast_in_dim3A_205 : i32 to vector<16xi32>
        %add3A_207 = vector.broadcast %add3A_145 : i32 to vector<16xi32>
        %add3A_208 = arith.addi %broadcast_in_dim3A_206, %add3A_207 : vector<16xi32>
        %gather3A_209 = tpu.vector_load_idx %arg5[%add3A_204, %add3A_208] : memref<128x200xi32, #tpu.memory_space<vmem>>[vector<16xi32>, vector<16xi32>], vector<16xi32>,
        %swap3A_210 = arith.constant 80 : index
        %swap3A_211 = tpu.vector_load %arg6[%swap3A_210] {strides = array<i32>} : memref<128xi32, #tpu.memory_space<vmem>>, vector<16xi32>,
        tpu.vector_store %arg6[%swap3A_210], %gather3A_209 {strides = array<i32>} : memref<128xi32, #tpu.memory_space<vmem>>, vector<16xi32>,
        %iota3A_212 = tpu.iota {dimensions = array<i32: 0>} : vector<16xi32>
        %add3A_213 = arith.constant 96 : i32
        %add3A_214 = vector.broadcast %add3A_213 : i32 to vector<16xi32>
        %add3A_215 = arith.addi %iota3A_212, %add3A_214 : vector<16xi32>
        %broadcast_in_dim3A_216 = arith.constant 0 : i32
        %broadcast_in_dim3A_217 = vector.broadcast %broadcast_in_dim3A_216 : i32 to vector<16xi32>
        %add3A_218 = vector.broadcast %add3A_145 : i32 to vector<16xi32>
        %add3A_219 = arith.addi %broadcast_in_dim3A_217, %add3A_218 : vector<16xi32>
        %gather3A_220 = tpu.vector_load_idx %arg5[%add3A_215, %add3A_219] : memref<128x200xi32, #tpu.memory_space<vmem>>[vector<16xi32>, vector<16xi32>], vector<16xi32>,
        %swap3A_221 = arith.constant 96 : index
        %swap3A_222 = tpu.vector_load %arg6[%swap3A_221] {strides = array<i32>} : memref<128xi32, #tpu.memory_space<vmem>>, vector<16xi32>,
        tpu.vector_store %arg6[%swap3A_221], %gather3A_220 {strides = array<i32>} : memref<128xi32, #tpu.memory_space<vmem>>, vector<16xi32>,
        %iota3A_223 = tpu.iota {dimensions = array<i32: 0>} : vector<16xi32>
        %add3A_224 = arith.constant 112 : i32
        %add3A_225 = vector.broadcast %add3A_224 : i32 to vector<16xi32>
        %add3A_226 = arith.addi %iota3A_223, %add3A_225 : vector<16xi32>
        %broadcast_in_dim3A_227 = arith.constant 0 : i32
        %broadcast_in_dim3A_228 = vector.broadcast %broadcast_in_dim3A_227 : i32 to vector<16xi32>
        %add3A_229 = vector.broadcast %add3A_145 : i32 to vector<16xi32>
        %add3A_230 = arith.addi %broadcast_in_dim3A_228, %add3A_229 : vector<16xi32>
        %gather3A_231 = tpu.vector_load_idx %arg5[%add3A_226, %add3A_230] : memref<128x200xi32, #tpu.memory_space<vmem>>[vector<16xi32>, vector<16xi32>], vector<16xi32>,
        %swap3A_232 = arith.constant 112 : index
        %swap3A_233 = tpu.vector_load %arg6[%swap3A_232] {strides = array<i32>} : memref<128xi32, #tpu.memory_space<vmem>>, vector<16xi32>,
        tpu.vector_store %arg6[%swap3A_232], %gather3A_231 {strides = array<i32>} : memref<128xi32, #tpu.memory_space<vmem>>, vector<16xi32>,
        %dma_start3A_234 = arith.constant 0 : i32
        %dma_start3A_235 = arith.constant 0 : i32
        %dma_start3A_236 = tpu.memref_slice %arg3[%dma_start3A_234, %dma_start3A_235] : memref<1000000x64xf32, #tpu.memory_space<hbm>> -> memref<1000000x64xf32, #tpu.memory_space<hbm>>
        tpu.enqueue_indirect_dma source(%dma_start3A_236 : memref<1000000x64xf32, #tpu.memory_space<hbm>>) target(%arg8 : memref<128x64xf32, #tpu.memory_space<vmem>>) offsets(%arg6 : memref<128xi32, #tpu.memory_space<vmem>>) semaphore(%arg10 : memref<!tpu.dma_semaphore, #tpu.memory_space<semaphore_mem>>)
      } else {
      }
      %dma_wait3A_133 = arith.constant 0 : i32
      %dma_wait3A_134 = arith.constant 0 : i32
      %dma_wait3A_135 = tpu.memref_slice %arg3[%dma_wait3A_133, %dma_wait3A_134] : memref<1000000x64xf32, #tpu.memory_space<hbm>> -> memref<1000000x64xf32, #tpu.memory_space<hbm>>
      tpu.wait_indirect_dma semaphore(%arg11 : memref<!tpu.dma_semaphore, #tpu.memory_space<semaphore_mem>>) src(%dma_wait3A_135 : memref<1000000x64xf32, #tpu.memory_space<hbm>>) dst(%arg9 : memref<128x64xf32, #tpu.memory_space<vmem>>)
      %scan3A_136 = arith.constant 0 : i32
      %scan3A_137 = arith.constant 0 : i32
      %scan3A_138 = arith.constant 128 : i32
      %scan3A_139 = arith.addi %scan3A_137, %scan3A_138 : i32
      %scan3A_140 = arith.constant 1 : i32
      %scan3A_141 = scf.for %scan3A_144 = %scan3A_137 to %scan3A_139 step %scan3A_140 iter_args(%scan3A_145 = %scan3A_136) -> (i32)  : i32 {
        %get3A = arith.index_cast %scan3A_144 : i32 to index
        %get3A_146 = arith.constant 0 : index
        %get3A_147 = tpu.vector_load %arg9[%get3A, %get3A_146] {strides = array<i32>} : memref<128x64xf32, #tpu.memory_space<vmem>>, vector<16xf32>,
        %mul3A_148 = arith.constant 8.000000e+00 : f32
        %mul3A_149 = vector.broadcast %mul3A_148 : f32 to vector<16xf32>
        %mul3A_150 = arith.mulf %get3A_147, %mul3A_149 : vector<16xf32>
        %swap3A_151 = arith.index_cast %scan3A_144 : i32 to index
        %swap3A_152 = arith.constant 0 : index
        %swap3A_153 = tpu.vector_load %arg9[%swap3A_151, %swap3A_152] {strides = array<i32>} : memref<128x64xf32, #tpu.memory_space<vmem>>, vector<16xf32>,
        tpu.vector_store %arg9[%swap3A_151, %swap3A_152], %mul3A_150 {strides = array<i32>} : memref<128x64xf32, #tpu.memory_space<vmem>>, vector<16xf32>,
        %get3A_154 = arith.index_cast %scan3A_144 : i32 to index
        %get3A_155 = arith.constant 16 : index
        %get3A_156 = tpu.vector_load %arg9[%get3A_154, %get3A_155] {strides = array<i32>} : memref<128x64xf32, #tpu.memory_space<vmem>>, vector<16xf32>,
        %mul3A_157 = arith.constant 8.000000e+00 : f32
        %mul3A_158 = vector.broadcast %mul3A_157 : f32 to vector<16xf32>
        %mul3A_159 = arith.mulf %get3A_156, %mul3A_158 : vector<16xf32>
        %swap3A_160 = arith.index_cast %scan3A_144 : i32 to index
        %swap3A_161 = arith.constant 16 : index
        %swap3A_162 = tpu.vector_load %arg9[%swap3A_160, %swap3A_161] {strides = array<i32>} : memref<128x64xf32, #tpu.memory_space<vmem>>, vector<16xf32>,
        tpu.vector_store %arg9[%swap3A_160, %swap3A_161], %mul3A_159 {strides = array<i32>} : memref<128x64xf32, #tpu.memory_space<vmem>>, vector<16xf32>,
        %get3A_163 = arith.index_cast %scan3A_144 : i32 to index
        %get3A_164 = arith.constant 32 : index
        %get3A_165 = tpu.vector_load %arg9[%get3A_163, %get3A_164] {strides = array<i32>} : memref<128x64xf32, #tpu.memory_space<vmem>>, vector<16xf32>,
        %mul3A_166 = arith.constant 8.000000e+00 : f32
        %mul3A_167 = vector.broadcast %mul3A_166 : f32 to vector<16xf32>
        %mul3A_168 = arith.mulf %get3A_165, %mul3A_167 : vector<16xf32>
        %swap3A_169 = arith.index_cast %scan3A_144 : i32 to index
        %swap3A_170 = arith.constant 32 : index
        %swap3A_171 = tpu.vector_load %arg9[%swap3A_169, %swap3A_170] {strides = array<i32>} : memref<128x64xf32, #tpu.memory_space<vmem>>, vector<16xf32>,
        tpu.vector_store %arg9[%swap3A_169, %swap3A_170], %mul3A_168 {strides = array<i32>} : memref<128x64xf32, #tpu.memory_space<vmem>>, vector<16xf32>,
        %get3A_172 = arith.index_cast %scan3A_144 : i32 to index
        %get3A_173 = arith.constant 48 : index
        %get3A_174 = tpu.vector_load %arg9[%get3A_172, %get3A_173] {strides = array<i32>} : memref<128x64xf32, #tpu.memory_space<vmem>>, vector<16xf32>,
        %mul3A_175 = arith.constant 8.000000e+00 : f32
        %mul3A_176 = vector.broadcast %mul3A_175 : f32 to vector<16xf32>
        %mul3A_177 = arith.mulf %get3A_174, %mul3A_176 : vector<16xf32>
        %swap3A_178 = arith.index_cast %scan3A_144 : i32 to index
        %swap3A_179 = arith.constant 48 : index
        %swap3A_180 = tpu.vector_load %arg9[%swap3A_178, %swap3A_179] {strides = array<i32>} : memref<128x64xf32, #tpu.memory_space<vmem>>, vector<16xf32>,
        tpu.vector_store %arg9[%swap3A_178, %swap3A_179], %mul3A_177 {strides = array<i32>} : memref<128x64xf32, #tpu.memory_space<vmem>>, vector<16xf32>,
        %scan3A_181 = arith.constant 0 : i32
        scf.yield %scan3A_181 : i32
      }
      %scan3A_142 = arith.constant 128 : i32
      "tpu.region"() ({
        %run_scoped3A = tpu.sem_alloc : memref<!tpu.dma_semaphore, #tpu.memory_space<semaphore_mem>>
        %dma_start3A_144 = arith.constant 0 : i32
        %dma_start3A_145 = tpu.memref_slice %arg4[%add3A_125, %mul3A_2, %dma_start3A_144] : memref<200x4096x64xf32, #tpu.memory_space<hbm>> -> memref<1x128x64xf32, #tpu.memory_space<hbm>>
        %dma_start3A_146 = tpu.memref_squeeze %dma_start3A_145 : memref<1x128x64xf32, #tpu.memory_space<hbm>> -> memref<128x64xf32, #tpu.memory_space<hbm>>
        %dma_start3A_147 = arith.constant 0 : i32
        %dma_start3A_148 = tpu.memref_slice %arg4[%add3A_125, %mul3A_2, %dma_start3A_147] : memref<200x4096x64xf32, #tpu.memory_space<hbm>> -> memref<1x128x64xf32, #tpu.memory_space<hbm>>
        %dma_start3A_149 = tpu.memref_squeeze %dma_start3A_148 : memref<1x128x64xf32, #tpu.memory_space<hbm>> -> memref<128x64xf32, #tpu.memory_space<hbm>>
        tpu.enqueue_dma source(%arg9 : memref<128x64xf32, #tpu.memory_space<vmem>>) target(%dma_start3A_149 : memref<128x64xf32, #tpu.memory_space<hbm>>) target_semaphore(%run_scoped3A : memref<!tpu.dma_semaphore, #tpu.memory_space<semaphore_mem>>)
        %dma_wait3A_150 = arith.constant 0 : i32
        %dma_wait3A_151 = tpu.memref_slice %arg4[%add3A_125, %mul3A_2, %dma_wait3A_150] : memref<200x4096x64xf32, #tpu.memory_space<hbm>> -> memref<1x128x64xf32, #tpu.memory_space<hbm>>
        %dma_wait3A_152 = tpu.memref_squeeze %dma_wait3A_151 : memref<1x128x64xf32, #tpu.memory_space<hbm>> -> memref<128x64xf32, #tpu.memory_space<hbm>>
        %dma_wait3A_153 = arith.constant 0 : i32
        %dma_wait3A_154 = tpu.memref_slice %arg4[%add3A_125, %mul3A_2, %dma_wait3A_153] : memref<200x4096x64xf32, #tpu.memory_space<hbm>> -> memref<1x128x64xf32, #tpu.memory_space<hbm>>
        %dma_wait3A_155 = tpu.memref_squeeze %dma_wait3A_154 : memref<1x128x64xf32, #tpu.memory_space<hbm>> -> memref<128x64xf32, #tpu.memory_space<hbm>>
        tpu.wait_dma2 semaphore(%run_scoped3A : memref<!tpu.dma_semaphore, #tpu.memory_space<semaphore_mem>>) src(%arg9 : memref<128x64xf32, #tpu.memory_space<vmem>>) dst(%dma_wait3A_155 : memref<128x64xf32, #tpu.memory_space<hbm>>)
        tpu.yield
      }) : () -> ()
      %scan3A_143 = arith.constant 0 : i32
      scf.yield %scan3A_143 : i32
    }
    %scan3A_102 = arith.constant 100 : i32
    return
  }
}

</mosaic_0001>

<sc_bundles>
// kernel: kernel.3.cloned.1.call-start
scs
__scs_entry_jumppad:
0x0: {  	(pc) =	sbr.rel $0x88, $3  }
0x1: {  	(tag) =	ssettag $0x0;
	lr =	simm.s32 $0x1  }
0x2: {  	[smem:$0x3F9F] =	sst lr;
	_ =	strace $0xD0000000  }
0x3: {  	_ = 	snop  }
0x4: {  	_ = 	snop  }
0x5: {  	_ = 	snop  }
0x6: {  	_ = 	snop  }
0x7: {  	_ = 	snop  }
__scs_overlays_trampoline_lowered:
0x8: {  	[smem:$0x3FAE] =	sst s0  }
0x9: {  	[smem:$0x3FAF] =	sst s1  }
0xa: {  	[smem:$0x3FB0] =	sst s2  }
0xb: {  	[smem:$0x3FB1] =	sst s3  }
0xc: {  	[smem:$0x3FB2] =	sst s4  }
0xd: {  	[smem:$0x3FB3] =	sst s5  }
0xe: {  	[smem:$0x3FB4] =	sst s6  }
0xf: {  	[smem:$0x3FB5] =	sst s7  }
0x10: {  	[smem:$0x3FB6] =	sst s8  }
0x11: {  	[smem:$0x3FB7] =	sst s9;
	s0 =	simm.s32 @!p0 $0x0  }
0x12: {  	s1 =	sld [smem:$0x3F9D];
	s0 =	simm.s32 @p0 $0x1  }
0x13: {  	[smem:$0x3FB8] =	sst s0;
	s0 =	simm.s32 @!p1 $0x0  }
0x14: {  	s2 =	sld [smem:$0x3F9C];
	s0 =	simm.s32 @p1 $0x1  }
0x15: {  	[smem:$0x3FB9] =	sst s0;
	s0 =	simm.s32 @!p2 $0x0  }
0x16: {  	s3 =	sld [smem:$0x3FDB];
	s0 =	simm.s32 @p2 $0x1  }
0x17: {  	s4 =	simm.s32 $0x1BF5;
	[smem:$0x3FBB] =	sst s0  }
0x18: {  	s0 =	sld [smem:$0x3F9E];
	_ =	swait.ge [sflag:s4], $0x0  }
0x19: {  	s7 =	sld [smem:$0x3F9F]  }
0x1a: {  	s8 =	sadd.s32 $0xFFFFE003, lr  }
0x1b: {  	s9 =	sadd.s32 $0xFFFFFEF7, lr;
	s5 =	simm.s32 $0xFFFFFFFF;
	p2 =	slt.u32 s8, $0xFFFFF086  }
0x1c: {  	p1 =	slt.u32 s9, $0xF7A;
	s5 =	simm.s32 @!p2 $0x0  }
0x1d: {  	s5 =	simm.s32 @p1 $0x1;
	p0 =	seq.s32 s7, s2  }
0x1e: {  	s7 =	smul.u32 @!p0 $0xF7A, s2;
	p2 =	seq.s32 @!p0 s5, $0x0  }
0x1f: {  	s9 =	smul.u32 $0xF7A, s1;
	s8 =	simm.s32 @!p0 $0x1BF5;
	p2 =	por !p2, p0  }
0x20: {  	[sflag:s8] =	ssyncset.s32 @!p0 $0xFFFFF086;
	s6 =	sadd.s32 @!p0 s3, s7;
	s7 =	simm.s32 @!p0 $0x108  }
0x21: {  	s3 =	sadd.s32 s3, s9;
	s6 =	sadd.s32 @!p0 $0x88, s6;
	s7 =	simm.s32 @p2 $0x1082  }
0x22: {  	[simem:s7], [sflag:s8] =	dma.local @!p0 [hbm:s6], $0xF7A  }
0x23: {  	s9 =	sor.u32 $0xD0000000, s2;
	s6 =	simm.s32 $0x108;
	_ =	swait.ge @!p0 [sflag:s8], $0x0  }
0x24: {  	s3 =	sadd.s32 $0x88, s3;
	s6 =	simm.s32 @!p1 $0x1082;
	[sflag:s4] =	ssyncset.s32 $0xFFFFF086  }
0x25: {  	[simem:s6], [sflag:s4] =	dma.local [hbm:s3], $0xF7A  }
0x26: {  	[smem:$0x3F9F] =	sst s1;
	(tag) =	ssettag s2;
	_ =	strace s9  }
0x27: {  	s1 =	sld [smem:$0x3FAF]  }
0x28: {  	s2 =	sld [smem:$0x3FB0]  }
0x29: {  	s4 =	sld [smem:$0x3FB2]  }
0x2a: {  	p0 =	seq.s32 s5, $0x0;
	s5 =	sld [smem:$0x3FB3]  }
0x2b: {  	s6 =	sld [smem:$0x3FB4]  }
0x2c: {  	s7 =	sld [smem:$0x3FB5]  }
0x2d: {  	s3 =	simm.s32 $0x108;
	s8 =	sld [smem:$0x3FB6]  }
0x2e: {  	s3 =	simm.s32 @!p0 $0x1082;
	s9 =	sld [smem:$0x3FB7]  }
0x2f: {  	lr =	sadd.s32 s0, s3;
	s0 =	sld [smem:$0x3FAE]  }
0x30: {  	s3 =	sld [smem:$0x3FB1]  }
0x31: {  	[smem:$0x3FBA] =	sst s10  }
0x32: {  	s10 =	sld [smem:$0x3FB8];
	_ =	sdelay $0x3  }
0x33: {  	p0 =	seq.s32 s10, $0x1;
	s10 =	sld [smem:$0x3FBA];
	_ =	sdelay $0x3  }
0x34: {  	[smem:$0x3FBA] =	sst s10  }
0x35: {  	s10 =	sld [smem:$0x3FB9];
	_ =	sdelay $0x3  }
0x36: {  	p1 =	seq.s32 s10, $0x1;
	s10 =	sld [smem:$0x3FBA];
	_ =	sdelay $0x3  }
0x37: {  	[smem:$0x3FBA] =	sst s10  }
0x38: {  	s10 =	sld [smem:$0x3FBB]  }
0x39: {  	_ = 	snop;
	(pc) =	sbr.ind lr, $3  }
0x3a: {  	_ = 	snop  }
0x3b: {  	_ = 	snop  }
0x3c: {  	p2 =	seq.s32 s10, $0x1;
	s10 =	sld [smem:$0x3FBA]  }
0x3d: {  	_ =	shalt  }
0x3e: {  	_ =	shalt  }
0x3f: {  	_ =	shalt  }
0x40: {  	_ =	shalt  }
0x41: {  	_ =	shalt  }
0x42: {  	_ =	shalt  }
0x43: {  	_ =	shalt  }
0x44: {  	_ =	shalt  }
0x45: {  	_ =	shalt  }
0x46: {  	_ =	shalt  }
0x47: {  	_ =	shalt  }
0x48: {  	_ =	shalt  }
0x49: {  	_ =	shalt  }
0x4a: {  	_ =	shalt  }
0x4b: {  	_ =	shalt  }
0x4c: {  	_ =	shalt  }
0x4d: {  	_ =	shalt  }
0x4e: {  	_ =	shalt  }
0x4f: {  	_ =	shalt  }
0x50: {  	_ =	shalt  }
0x51: {  	_ =	shalt  }
0x52: {  	_ =	shalt  }
0x53: {  	_ =	shalt  }
0x54: {  	_ =	shalt  }
0x55: {  	_ =	shalt  }
0x56: {  	_ =	shalt  }
0x57: {  	_ =	shalt  }
0x58: {  	_ =	shalt  }
0x59: {  	_ =	shalt  }
0x5a: {  	_ =	shalt  }
0x5b: {  	_ =	shalt  }
0x5c: {  	_ =	shalt  }
0x5d: {  	_ =	shalt  }
0x5e: {  	_ =	shalt  }
0x5f: {  	_ =	shalt  }
0x60: {  	_ =	shalt  }
0x61: {  	_ =	shalt  }
0x62: {  	_ =	shalt  }
0x63: {  	_ =	shalt  }
0x64: {  	_ =	shalt  }
0x65: {  	_ =	shalt  }
0x66: {  	_ =	shalt  }
0x67: {  	_ =	shalt  }
0x68: {  	_ =	shalt  }
0x69: {  	_ =	shalt  }
0x6a: {  	_ =	shalt  }
0x6b: {  	_ =	shalt  }
0x6c: {  	_ =	shalt  }
0x6d: {  	_ =	shalt  }
0x6e: {  	_ =	shalt  }
0x6f: {  	_ =	shalt  }
0x70: {  	_ =	shalt  }
0x71: {  	_ =	shalt  }
0x72: {  	_ =	shalt  }
0x73: {  	_ =	shalt  }
0x74: {  	_ =	shalt  }
0x75: {  	_ =	shalt  }
0x76: {  	_ =	shalt  }
0x77: {  	_ =	shalt  }
0x78: {  	_ =	shalt  }
0x79: {  	_ =	shalt  }
0x7a: {  	_ =	shalt  }
0x7b: {  	_ =	shalt  }
0x7c: {  	_ =	shalt  }
0x7d: {  	_ =	shalt  }
0x7e: {  	_ =	shalt  }
0x7f: {  	_ =	shalt  }
0x80: {  	_ =	shalt  }
0x81: {  	_ =	shalt  }
0x82: {  	_ =	shalt  }
0x83: {  	_ =	shalt  }
0x84: {  	_ =	shalt  }
0x85: {  	_ =	shalt  }
0x86: {  	_ =	shalt  }
0x87: {  	_ =	shalt  }
.Lfunc_end0:
.L_simem_size_0:
called_computation.1_lowered:
.L_overlay_start_0:
0x88: {  	s2 =	sld [smem:$0x3FD9]  }
0x89: {  	s3 =	sld [smem:$0x3FFE];
	_ =	sdelay $0x1  }
0x8a: {  	s1 =	srdreg.scid  }
0x8b: {  	s0 =	sand.u32 $0x1, s1  }
0x8c: {  	s17 =	sshll.u32 s0, $0xA;
	s2 =	sadd.s32 s3, s2  }
0x8d: {  	s2 =	sadd.s32 s2, s17  }
0x8e: {  	[smem:$0x3FC6] =	sst s2  }
0x8f: {  	_ = 	snop  }
0x90: {  	s2 =	sld [smem:$0x3FD0];
	(tm) =	ssettm $0x1  }
0x91: {  	s18 =	sld [smem:$0x3FFB];
	_ =	sdelay $0x3  }
0x92: {  	_ =	strace s18  }
0x93: {  	s3 =	sld [smem:$0x3FFC];
	_ =	sdelay $0x3  }
0x94: {  	_ =	strace s3  }
0x95: {  	s3 =	sld [smem:$0x3FFD];
	_ =	sdelay $0x3  }
0x96: {  	_ =	strace s3  }
0x97: {  	_ =	strace $0x8FFFFFFF  }
0x98: {  	s19 =	sld [smem:$0x3FDB];
	_ =	sdelay $0x1  }
0x99: {  	s4 =	simm.s32 $_scs_section_size  }
0x9a: {  	s5 =	simm.s32 $_size__tile_overlayer_lowered;
	s6 =	simm.s32 $_tile_overlayer_lowered  }
0x9b: {  	s22 =	simm.s32 $0x1BFF;
	s21 =	sshll.u32 s6, $0x1;
	s3 =	sadd.s32 s4, s19  }
0x9c: {  	s7 =	simm.s32 $0x0;
	s20 =	sshll.u32 s5, $0x1;
	s5 =	sadd.s32 s21, s3  }
0x9d: {  	[timem:s7], [sflag:s22] =	dma.local [hbm:s5], s20  }
0x9e: {  	_ =	swait.ge [sflag:s22], s20  }
0x9f: {  	s4 =	ssub.s32 $0x0, s20;
	[sflag:s22] =	ssyncset.done $0x0  }
0xa0: {  	[sflag:s22] =	ssyncadd.s32 s4;
	_ =	sdelay $0x1  }
0xa1: {  	s23 =	simm.s32 $0x1B8B  }
0xa2: {  	_ =	swait.ge [sflag:s23], $0x1  }
0xa3: {  	[sflag:s23] =	ssyncset.done $0x0  }
0xa4: {  	s25 =	simm.s32 $0x1B8E;
	s24 =	sld [smem:$0x3FFE];
	[sflag:s23] =	ssyncadd.s32 $0xFFFFFFFF  }
0xa5: {  	s26 =	simm.s32 $execute0_lowered;
	[smem:$0x3FD2] =	sst s25  }
0xa6: {  	s5 =	sshll.u32 s26, $0x1;
	_ =	strace $0x80000046;
	[dreg:$0x1] =	wrdreg $0xFFFFFFFF  }
0xa7: {  	s28 =	simm.s32 $_size_execute0_lowered;
	s3 =	sadd.s32 s3, s5;
	[dreg:$0x0] =	wrdreg $0x0  }
0xa8: {  	s5 =	sshll.u32 s28, $0x1;
	[dreg:$0x2] =	wrdreg s3  }
0xa9: {  	[dreg:$0x3] =	wrdreg s5  }
0xaa: {  	[dreg:$0x4] =	wrdreg $0xC0  }
0xab: {  	_ =	task [dreg:s7], $0x5FFFF  }
0xac: {  	[dreg:$0x1] =	wrdreg $0xFFFFFFFF  }
0xad: {  	[dreg:$0x0] =	wrdreg $0x60  }
0xae: {  	[dreg:$0x2] =	wrdreg s24  }
0xaf: {  	[dreg:$0x3] =	wrdreg s2  }
0xb0: {  	[dreg:$0x4] =	wrdreg $0x9  }
0xb1: {  	_ =	task.clear_ibuf [dreg:s7], $0x5FFFF;
	_ =	strace $0x90000046  }
0xb2: {  	s29 =	simm.s32 $0x9;
	_ =	strace $0x80000048  }
0xb3: {  	_ =	swait.ge [sflag:s29], $0x1  }
0xb4: {  	[sflag:s29] =	ssyncadd.s32 $0xFFFFFFFF  }
0xb5: {  	_ =	strace $0x90000048  }
0xb6: {  	_ =	sfence  }
0xb7: {  	s30 =	sld [smem:$0x0];
	_ =	sdelay $0x2  }
0xb8: {  	s31 =	sshll.u32 s1, $0xD;
	s1 =	sshrl.u32 s1, $0x2  }
0xb9: {  	s3 =	sand.u32 $0x4000, s31;
	s1 =	sadd.s32 s1, s30  }
0xba: {  	s0 =	sor.u32 s3, s0;
	s1 =	sshll.u32 s1, $0x11  }
0xbb: {  	s0 =	sor.u32 s1, s0  }
0xbc: {  	s0 =	sadd.s32 $0x8F2B, s0  }
0xbd: {  	[sflag:s0] =	ssyncadd.remote.s32 $0x1  }
0xbe: {  	_ =	sfence.sel $0xFFFF  }
0xbf: {  	[dreg:$0x0] =	wrdreg $0xFFFFFFFF;
	(pc) =	sbr.abs _section_cstart, $3  }
0xc0: {  	[dreg:$0x1] =	wrdreg $0xFFFFFFFF  }
0xc1: {  	_ =	task.clear_ibuf [dreg:s7], $0x2FFFF;
	_ =	strace $0x9FFFFFFF  }
0xc2: {  	(tm) =	ssettm $0x7FFFFFFF  }
0xc3: {  	_ =	shalt  }
tec
execute0_lowered:
.L_overlay_start_1:
0x0: {  	(tag) =	ssettag $0x1  }
0x1: {  	s1 =	srdreg.scid  }
0x2: {  	s4 =	rddreg [dreg:$0x0];
	s0 =	stileid.u32  }
0x3: {  	s2 =	rddreg [dreg:$0x1];
	s3 =	simm.s32 $0x0;
	s9 =	simm.s32 $0x80  }
0x4: {  	s10 =	simm.s32 $0x6400;
	s11 =	simm.s32 $0x6500;
	s12 =	simm.s32 $0x6480  }
0x5: {  	s13 =	simm.s32 $0x8500;
	s14 =	simm.s32 $0x1;
	s5 =	sand.u32 $0x1, s1  }
0x6: {  	v0 =	vlaneseq.u32;
	s15 =	simm.s32 $0x2;
	s6 =	sshll.u32 s0, $0x8;
	s7 =	sshll.u32 s5, $0x7  }
0x7: {  	s16 =	simm.s32 $0x0;
	v0 =	vmul.u32 $0xC8, v0;
	s5 =	ssub.s32 $0x2, s5;
	s6 =	sor.u32 s7, s6  }
0x8: {  	[smem:$0x7FF] =	sst s3;
	s8 =	sshrl.u32 s5, $0x1;
	s7 =	smul.u32 $0x19, s6  }
0x9: {  	s1 =	rddreg [dreg:$0x2];
	_ =	strace $0x80000047;
	v1 =	vadd.s32 $0xC80, v0;
	s8 =	ssub.s32 s5, s8  }
0xa: {  	v2 =	vadd.s32 $0x1900, v0;
	v3 =	vadd.s32 $0x2580, v0;
	v4 =	vadd.s32 $0x3200, v0;
	s6 =	sshll.u32 s6, $0x6;
	s7 =	sadd.s32 s7, s4;
	s4 =	sadd.s32 $0xF42E00, s4  }
0xb: {  	v5 =	vadd.s32 $0x3E80, v0;
	v6 =	vadd.s32 $0x4B00, v0;
	v7 =	vadd.s32 $0x5780, v0;
	s5 =	sadd.s32 $0xA00, s7;
	s7 =	smax.u32 s8, $0x1;
	s8 =	simm.s32 $0x3  }
.LBB2_1:
0xc: {  	[tilespmem:s3], [sflag:$0x3] =	stream.linear.gather [hbm4b:s5+s3], $0x6400, $0x38;
	[tilespmem:$0xA500] =	vst v63  }
0xd: {  	_ =	swait.ge [sflag:s8], $0x6400  }
0xe: {  	[sflag:s8] =	ssyncset.done $0x0  }
0xf: {  	[sflag:s8] =	ssyncadd.s32 $0xFFFF9C00  }
0x10: {  	v8 =	vld.idx.msk [tilespmem:v0+s3+$0x0], $0xffff;
	_ =	sdelay $0x4  }
0x11: {  	[tilespmem:$0x6400] =	vst v8  }
0x12: {  	v8 =	vld.idx.msk [tilespmem:v1+s3+$0x0], $0xffff;
	_ =	sdelay $0x4  }
0x13: {  	[tilespmem:$0x6410] =	vst v8  }
0x14: {  	v8 =	vld.idx.msk [tilespmem:v2+s3+$0x0], $0xffff;
	_ =	sdelay $0x4  }
0x15: {  	[tilespmem:$0x6420] =	vst v8  }
0x16: {  	v8 =	vld.idx.msk [tilespmem:v3+s3+$0x0], $0xffff;
	_ =	sdelay $0x4  }
0x17: {  	[tilespmem:$0x6430] =	vst v8  }
0x18: {  	v8 =	vld.idx.msk [tilespmem:v4+s3+$0x0], $0xffff;
	_ =	sdelay $0x4  }
0x19: {  	[tilespmem:$0x6440] =	vst v8  }
0x1a: {  	v8 =	vld.idx.msk [tilespmem:v5+s3+$0x0], $0xffff;
	_ =	sdelay $0x4  }
0x1b: {  	[tilespmem:$0x6450] =	vst v8  }
0x1c: {  	v8 =	vld.idx.msk [tilespmem:v6+s3+$0x0], $0xffff;
	_ =	sdelay $0x4  }
0x1d: {  	[tilespmem:$0x6460] =	vst v8  }
0x1e: {  	v8 =	vld.idx.msk [tilespmem:v7+s3+$0x0], $0xffff;
	_ =	sdelay $0x4  }
0x1f: {  	s17 =	simm.s32 $0x0;
	[tilespmem:$0x6470] =	vst v8  }
0x20: {  	[tilespmem:s11], [sflag:$0x1] =	stream.indirect.gather [hbm4b:s4+s9], $0x40, s10, s9, $0xb8;
	[tilespmem:$0xA500] =	vst v63  }
.LBB2_2:
0x21: {  	s18 =	sshllo.u32 s17, $0x1  }
0x22: {  	v8 =	vmov s18  }
0x23: {  	v8 =	vand.u32 $0xFF, v8  }
0x24: {  	v9 =	vadd.s32 v0, v8;
	_ =	sdelay $0x3  }
0x25: {  	s19 =	simm.s32 $0x0  }
0x26: {  	v9 =	vld.idx.msk [tilespmem:v9+s19+$0x0], $0xffff  }
0x27: {  	v10 =	vadd.s32 v1, v8;
	_ =	sdelay $0x3  }
0x28: {  	[tilespmem:$0x6480] =	vst v9  }
0x29: {  	v9 =	vld.idx.msk [tilespmem:v10+s19+$0x0], $0xffff  }
0x2a: {  	v10 =	vadd.s32 v2, v8;
	_ =	sdelay $0x3  }
0x2b: {  	[tilespmem:$0x6490] =	vst v9  }
0x2c: {  	v9 =	vld.idx.msk [tilespmem:v10+s19+$0x0], $0xffff  }
0x2d: {  	v10 =	vadd.s32 v3, v8;
	_ =	sdelay $0x3  }
0x2e: {  	[tilespmem:$0x64A0] =	vst v9  }
0x2f: {  	v9 =	vld.idx.msk [tilespmem:v10+s19+$0x0], $0xffff  }
0x30: {  	v10 =	vadd.s32 v4, v8;
	_ =	sdelay $0x3  }
0x31: {  	[tilespmem:$0x64B0] =	vst v9  }
0x32: {  	v9 =	vld.idx.msk [tilespmem:v10+s19+$0x0], $0xffff  }
0x33: {  	v10 =	vadd.s32 v5, v8;
	_ =	sdelay $0x3  }
0x34: {  	[tilespmem:$0x64C0] =	vst v9  }
0x35: {  	v9 =	vld.idx.msk [tilespmem:v10+s19+$0x0], $0xffff  }
0x36: {  	v10 =	vadd.s32 v6, v8;
	_ =	sdelay $0x3  }
0x37: {  	[tilespmem:$0x64D0] =	vst v9  }
0x38: {  	v9 =	vld.idx.msk [tilespmem:v10+s19+$0x0], $0xffff  }
0x39: {  	v8 =	vadd.s32 v7, v8;
	_ =	sdelay $0x3  }
0x3a: {  	[tilespmem:$0x64E0] =	vst v9  }
0x3b: {  	v8 =	vld.idx.msk [tilespmem:v8+s19+$0x0], $0xffff;
	_ =	sdelay $0x4  }
0x3c: {  	[tilespmem:$0x64F0] =	vst v8  }
0x3d: {  	[tilespmem:s13], [sflag:$0x2] =	stream.indirect.gather [hbm4b:s4+s9], $0x40, s12, s9, $0xb8;
	[tilespmem:$0xA500] =	vst v63  }
0x3e: {  	_ =	swait.ge [sflag:s14], $0x2000  }
0x3f: {  	[sflag:s14] =	ssyncset.done $0x0  }
0x40: {  	s19 =	simm.s32 $0x0;
	[sflag:s14] =	ssyncadd.s32 $0xFFFFE000  }
0x41: {  	v8 =	vld [tilespmem:s19+$0x6500]  }
0x42: {  	v10 =	vld [tilespmem:s19+$0x6510]  }
0x43: {  	s20 =	sshll.u32 s17, $0x1;
	s21 =	simm.s32 $0x100;
	v9 =	vld [tilespmem:s19+$0x6520]  }
.LBB2_3:
0x44: {  	p0 =	sne.s32 s21, $0x7F00;
	v11 =	vld [tilespmem:s19+$0x6530];
	_ =	sdelay $0x1  }
0x45: {  	v8 =	vmul.f32 $8.000000000e+00, v8  }
.Ltmp0:
0x46: {  	v10 =	vmul.f32 $8.000000000e+00, v10;
	(pc) =	sbr.rel @p0 .LBB2_3-.Ltmp0, $4  }
0x47: {  	s22 =	sshra.s32 s21, $0x2;
	[tilespmem:s19+$0x6500] =	vst v8;
	v9 =	vmul.f32 $8.000000000e+00, v9  }
0x48: {  	v8 =	vld [tilespmem:s22+$0x6500];
	[tilespmem:s19+$0x6510] =	vst v10;
	v11 =	vmul.f32 $8.000000000e+00, v11  }
0x49: {  	v10 =	vld [tilespmem:s22+$0x6510];
	[tilespmem:s19+$0x6520] =	vst v9  }
0x4a: {  	s21 =	sadd.s32 $0x100, s21;
	v9 =	vld [tilespmem:s22+$0x6520];
	[tilespmem:s19+$0x6530] =	vst v11;
	s19 =	smov.u32 s22  }
0x4b: {  	v11 =	vld [tilespmem:s19+$0x6530];
	_ =	sdelay $0x1  }
0x4c: {  	v8 =	vmul.f32 $8.000000000e+00, v8  }
0x4d: {  	p0 =	seq.s32 s17, $0x63;
	v10 =	vmul.f32 $8.000000000e+00, v10  }
0x4e: {  	s21 =	sshll.u32 s17, $0x13;
	s20 =	sadd.s32 @!p0 $0x2, s20;
	[tilespmem:s19+$0x6500] =	vst v8;
	v8 =	vmul.f32 $8.000000000e+00, v9;
	v9 =	vlaneseq.u32 @!p0  }
0x4f: {  	s21 =	sor.u32 s6, s21;
	[tilespmem:s19+$0x6510] =	vst v10;
	v10 =	vmul.f32 $8.000000000e+00, v11;
	v11 =	vmov @!p0 s20;
	v9 =	vmul.u32 @!p0 $0xC8, v9  }
0x50: {  	s30 =	sshrl.u32 s21, $0x3;
	[tilespmem:s19+$0x6520] =	vst v8;
	v8 =	vand.u32 @!p0 $0x1FE, v11  }
0x51: {  	s31 =	sadd.s32 s2, s30;
	[tilespmem:s19+$0x6530] =	vst v10;
	v10 =	vadd.s32 @!p0 v9, v8  }
0x52: {  	[hbm4b:s31+s3] =	stream.linear.scatter [tilespmem:s11], [sflag:$0x3], $0x2000, $0x38;
	[tilespmem:$0xA500] =	vst v63  }
0x53: {  	_ =	swait.ge [sflag:s8], $0x2000  }
0x54: {  	[sflag:s8] =	ssyncset.done $0x0  }
0x55: {  	s19 =	simm.s32 @!p0 $0x0;
	[sflag:s8] =	ssyncadd.s32 $0xFFFFE000  }
0x56: {  	v11 =	vadd.s32 @!p0 $0xC80, v9;
	v10 =	vld.idx.msk @!p0 [tilespmem:v10+s19+$0x0], $0xffff  }
0x57: {  	v11 =	vadd.s32 @!p0 v11, v8;
	_ =	sdelay $0x3  }
0x58: {  	[tilespmem:$0x6400] =	vst @!p0 v10  }
0x59: {  	v10 =	vld.idx.msk @!p0 [tilespmem:v11+s19+$0x0], $0xffff;
	v11 =	vadd.s32 @!p0 $0x1900, v9  }
0x5a: {  	v11 =	vadd.s32 @!p0 v11, v8;
	_ =	sdelay $0x3  }
0x5b: {  	[tilespmem:$0x6410] =	vst @!p0 v10  }
0x5c: {  	v10 =	vld.idx.msk @!p0 [tilespmem:v11+s19+$0x0], $0xffff;
	v11 =	vadd.s32 @!p0 $0x2580, v9  }
0x5d: {  	v11 =	vadd.s32 @!p0 v11, v8;
	_ =	sdelay $0x3  }
0x5e: {  	[tilespmem:$0x6420] =	vst @!p0 v10  }
0x5f: {  	v10 =	vld.idx.msk @!p0 [tilespmem:v11+s19+$0x0], $0xffff;
	v11 =	vadd.s32 @!p0 $0x3200, v9  }
0x60: {  	v11 =	vadd.s32 @!p0 v11, v8;
	_ =	sdelay $0x3  }
0x61: {  	[tilespmem:$0x6430] =	vst @!p0 v10  }
0x62: {  	v10 =	vld.idx.msk @!p0 [tilespmem:v11+s19+$0x0], $0xffff;
	v11 =	vadd.s32 @!p0 $0x3E80, v9  }
0x63: {  	v11 =	vadd.s32 @!p0 v11, v8;
	_ =	sdelay $0x3  }
0x64: {  	[tilespmem:$0x6440] =	vst @!p0 v10  }
0x65: {  	v10 =	vld.idx.msk @!p0 [tilespmem:v11+s19+$0x0], $0xffff;
	v11 =	vadd.s32 @!p0 $0x4B00, v9  }
0x66: {  	v11 =	vadd.s32 @!p0 v11, v8;
	_ =	sdelay $0x3  }
0x67: {  	[tilespmem:$0x6450] =	vst @!p0 v10  }
0x68: {  	v9 =	vadd.s32 @!p0 $0x5780, v9;
	v10 =	vld.idx.msk @!p0 [tilespmem:v11+s19+$0x0], $0xffff  }
0x69: {  	v8 =	vadd.s32 @!p0 v9, v8;
	_ =	sdelay $0x3  }
0x6a: {  	[tilespmem:$0x6460] =	vst @!p0 v10  }
0x6b: {  	v8 =	vld.idx.msk @!p0 [tilespmem:v8+s19+$0x0], $0xffff;
	_ =	sdelay $0x4  }
0x6c: {  	s21 =	simm.s32 @!p0 $0x6500;
	s20 =	simm.s32 @!p0 $0x6400;
	s19 =	simm.s32 @!p0 $0x80;
	[tilespmem:$0x6470] =	vst @!p0 v8  }
0x6d: {  	[tilespmem:s21], [sflag:$0x1] =	stream.indirect.gather @!p0 [hbm4b:s4+s19], $0x40, s20, s19, $0xb8;
	[tilespmem:$0xA500] =	vst v63  }
0x6e: {  	_ =	swait.ge [sflag:s15], $0x2000  }
0x6f: {  	[sflag:s15] =	ssyncset.done $0x0  }
0x70: {  	s19 =	simm.s32 $0x0;
	[sflag:s15] =	ssyncadd.s32 $0xFFFFE000  }
0x71: {  	v8 =	vld [tilespmem:s19+$0x8500]  }
0x72: {  	v10 =	vld [tilespmem:s19+$0x8510]  }
0x73: {  	s20 =	simm.s32 $0x100;
	v9 =	vld [tilespmem:s19+$0x8520]  }
.LBB2_5:
0x74: {  	p0 =	sne.s32 s20, $0x7F00;
	v11 =	vld [tilespmem:s19+$0x8530];
	_ =	sdelay $0x1  }
0x75: {  	v8 =	vmul.f32 $8.000000000e+00, v8  }
.Ltmp1:
0x76: {  	v10 =	vmul.f32 $8.000000000e+00, v10;
	(pc) =	sbr.rel @p0 .LBB2_5-.Ltmp1, $4  }
0x77: {  	s21 =	sshra.s32 s20, $0x2;
	[tilespmem:s19+$0x8500] =	vst v8;
	v9 =	vmul.f32 $8.000000000e+00, v9  }
0x78: {  	v8 =	vld [tilespmem:s21+$0x8500];
	[tilespmem:s19+$0x8510] =	vst v10;
	v11 =	vmul.f32 $8.000000000e+00, v11  }
0x79: {  	v10 =	vld [tilespmem:s21+$0x8510];
	[tilespmem:s19+$0x8520] =	vst v9  }
0x7a: {  	s20 =	sadd.s32 $0x100, s20;
	v9 =	vld [tilespmem:s21+$0x8520];
	[tilespmem:s19+$0x8530] =	vst v11;
	s19 =	smov.u32 s21  }
0x7b: {  	v11 =	vld [tilespmem:s19+$0x8530];
	_ =	sdelay $0x1  }
0x7c: {  	v8 =	vmul.f32 $8.000000000e+00, v8  }
0x7d: {  	v10 =	vmul.f32 $8.000000000e+00, v10  }
0x7e: {  	s18 =	sshll.u32 s18, $0x12;
	[tilespmem:s19+$0x8500] =	vst v8;
	v8 =	vmul.f32 $8.000000000e+00, v9  }
0x7f: {  	s17 =	sadd.s32 $0x1, s17;
	s18 =	sor.u32 s6, s18;
	[tilespmem:s19+$0x8510] =	vst v10;
	v63 =	vmul.f32 $8.000000000e+00, v11  }
0x80: {  	p0 =	sne.s32 s17, $0x64;
	s18 =	sshrl.u32 s18, $0x3;
	[tilespmem:s19+$0x8520] =	vst v8  }
.Ltmp2:
0x81: {  	s18 =	sadd.s32 s2, s18;
	[tilespmem:s19+$0x8530] =	vst v63;
	(pc) =	sbr.rel @p0 .LBB2_2-.Ltmp2, $4  }
0x82: {  	[hbm4b:s18+s3] =	stream.linear.scatter [tilespmem:s13], [sflag:$0x3], $0x2000, $0x38;
	[tilespmem:$0xA500] =	vst v63  }
0x83: {  	_ =	swait.ge [sflag:s8], $0x2000  }
0x84: {  	[sflag:s8] =	ssyncset.done $0x0  }
0x85: {  	[sflag:s8] =	ssyncadd.s32 $0xFFFFE000  }
0x86: {  	s16 =	sadd.s32 $0x1, s16  }
0x87: {  	p0 =	sne.s32 s16, s7  }
.Ltmp3:
0x88: {  	_ = 	snop;
	(pc) =	sbr.rel @p0 .LBB2_1-.Ltmp3, $1  }
0x89: {  	_ =	sdelay $0x3  }
0x8a: {  	_ =	sfence.sel $0x180000  }
0x8b: {  	[bflag:$0x0] =	sbarrier.arrive $0xFFFF  }
0x8c: {  	p0 =	sne.s32 s0, $0x0;
	_ =	strace $0x90000047  }
0x8d: {  	s0 =	sadd.s32 @!p0 $0x100000, s1;
	[bflag:$0x2] =	sbarrier.arrive $0xFFFF  }
0x8e: {  	[sflag:s0] =	ssyncadd.tile.s32 @!p0 $0x1;
	_ =	shalt  }
.Lfunc_end2:
_tile_overlayer_lowered:
.L_overlay_start_2:
0x8f: {  	(tag) =	ssettag $0x2  }
0x90: {  	s0 =	rddreg [dreg:$0x0];
	s2 =	stileid.u32  }
0x91: {  	s1 =	rddreg [dreg:$0x1];
	p0 =	sne.s32 s2, $0x0  }
0x92: {  	s3 =	rddreg [dreg:$0x2];
	[bflag:$0x3] =	sbarrier.arrive $0xFFFF;
	s2 =	simm.s32 @!p0 $0x1C03  }
0x93: {  	[timem:s3], [sflag:s2] =	dma.local @!p0 [hbm:s0], s1  }
0x94: {  	s0 =	simm.s32 @!p0 $0x3  }
0x95: {  	_ =	swait.ge @!p0 [sflag:s0], s1  }
0x96: {  	s1 =	ssub.s32 @!p0 $0x0, s1;
	[sflag:s0] =	ssyncset.done @!p0 $0x0  }
0x97: {  	[sflag:s0] =	ssyncadd.s32 @!p0 s1  }
0x98: {  	[bflag:$0x3] =	sbarrier.arrive $0xFFFF  }
0x99: {  	_ =	shalt  }

// kernel: sparse-core-data-format-call.cloned.1.call-start
scs
called_computation_lowered:
.L_overlay_start_0:
0x0: {  	s2 =	sld [smem:$0x3FD9]  }
0x1: {  	s3 =	sld [smem:$0x3FFE];
	_ =	sdelay $0x1  }
0x2: {  	s1 =	srdreg.scid  }
0x3: {  	s0 =	sand.u32 $0x1, s1  }
0x4: {  	s18 =	sshll.u32 s0, $0xA;
	s2 =	sadd.s32 s3, s2  }
0x5: {  	s2 =	sadd.s32 s2, s18  }
0x6: {  	[smem:$0x3FC6] =	sst s2  }
0x7: {  	_ = 	snop  }
0x8: {  	s2 =	sld [smem:$0x3FD0];
	(tm) =	ssettm $0x1  }
0x9: {  	s19 =	sld [smem:$0x3FFB];
	_ =	sdelay $0x3  }
0xa: {  	_ =	strace s19  }
0xb: {  	s3 =	sld [smem:$0x3FFC];
	_ =	sdelay $0x3  }
0xc: {  	_ =	strace s3  }
0xd: {  	s3 =	sld [smem:$0x3FFD];
	_ =	sdelay $0x3  }
0xe: {  	_ =	strace s3  }
0xf: {  	_ =	strace $0x8FFFFFFF  }
0x10: {  	s20 =	sld [smem:$0x3FDB];
	_ =	sdelay $0x1  }
0x11: {  	s4 =	simm.s32 $_scs_section_size  }
0x12: {  	s5 =	simm.s32 $_size__tile_overlayer_lowered;
	s6 =	simm.s32 $_tile_overlayer_lowered  }
0x13: {  	s23 =	simm.s32 $0x1BFF;
	s22 =	sshll.u32 s6, $0x1;
	s3 =	sadd.s32 s4, s20  }
0x14: {  	s7 =	simm.s32 $0x0;
	s21 =	sshll.u32 s5, $0x1;
	s5 =	sadd.s32 s22, s3  }
0x15: {  	[timem:s7], [sflag:s23] =	dma.local [hbm:s5], s21  }
0x16: {  	_ =	swait.ge [sflag:s23], s21  }
0x17: {  	s4 =	ssub.s32 $0x0, s21;
	[sflag:s23] =	ssyncset.done $0x0  }
0x18: {  	[sflag:s23] =	ssyncadd.s32 s4;
	_ =	sdelay $0x1  }
0x19: {  	s24 =	simm.s32 $0x1B8B  }
0x1a: {  	_ =	swait.ge [sflag:s24], $0x1  }
0x1b: {  	[sflag:s24] =	ssyncset.done $0x0  }
0x1c: {  	s26 =	simm.s32 $0x1B8E;
	s25 =	sld [smem:$0x3FFE];
	[sflag:s24] =	ssyncadd.s32 $0xFFFFFFFF  }
0x1d: {  	s27 =	simm.s32 $execute0_lowered;
	[smem:$0x3FD2] =	sst s26  }
0x1e: {  	s5 =	sshll.u32 s27, $0x1;
	_ =	strace $0x80000049;
	[dreg:$0x1] =	wrdreg $0xFFFFFFFF  }
0x1f: {  	s28 =	simm.s32 $_size_execute0_lowered;
	s3 =	sadd.s32 s3, s5;
	[dreg:$0x0] =	wrdreg $0x0  }
0x20: {  	s5 =	sshll.u32 s28, $0x1;
	[dreg:$0x2] =	wrdreg s3  }
0x21: {  	[dreg:$0x3] =	wrdreg s5  }
0x22: {  	[dreg:$0x4] =	wrdreg $0xC0  }
0x23: {  	_ =	task [dreg:s7], $0x5FFFF  }
0x24: {  	[dreg:$0x1] =	wrdreg $0xFFFFFFFF  }
0x25: {  	[dreg:$0x0] =	wrdreg $0x60  }
0x26: {  	[dreg:$0x2] =	wrdreg s25  }
0x27: {  	[dreg:$0x3] =	wrdreg s2  }
0x28: {  	[dreg:$0x4] =	wrdreg $0x9  }
0x29: {  	_ =	task.clear_ibuf [dreg:s7], $0x5FFFF;
	_ =	strace $0x90000049  }
0x2a: {  	s29 =	simm.s32 $0x9;
	_ =	strace $0x8000004B  }
0x2b: {  	_ =	swait.ge [sflag:s29], $0x1  }
0x2c: {  	[sflag:s29] =	ssyncadd.s32 $0xFFFFFFFF  }
0x2d: {  	_ =	strace $0x9000004B  }
0x2e: {  	_ =	sfence  }
0x2f: {  	s30 =	sld [smem:$0x0];
	_ =	sdelay $0x2  }
0x30: {  	s31 =	sshll.u32 s1, $0xD;
	s1 =	sshrl.u32 s1, $0x2  }
0x31: {  	s3 =	sand.u32 $0x4000, s31;
	s1 =	sadd.s32 s1, s30  }
0x32: {  	s0 =	sor.u32 s3, s0;
	s1 =	sshll.u32 s1, $0x11  }
0x33: {  	s0 =	sor.u32 s1, s0  }
0x34: {  	s0 =	sadd.s32 $0x8F2B, s0  }
0x35: {  	[sflag:s0] =	ssyncadd.remote.s32 $0x1  }
0x36: {  	_ =	sfence.sel $0xFFFF  }
0x37: {  	[dreg:$0x0] =	wrdreg $0xFFFFFFFF;
	(pc) =	sbr.abs _section_cstart, $3  }
0x38: {  	[dreg:$0x1] =	wrdreg $0xFFFFFFFF  }
0x39: {  	_ =	task.clear_ibuf [dreg:s7], $0x2FFFF;
	_ =	strace $0x9FFFFFFF  }
0x3a: {  	(tm) =	ssettm $0x7FFFFFFF  }
0x3b: {  	_ =	shalt  }
tec
execute0_lowered:
.L_overlay_start_1:
0x0: {  	(tag) =	ssettag $0x1  }
0x1: {  	s0 =	srdreg.scid  }
0x2: {  	s1 =	sshll.u32 s0, $0x4  }
0x3: {  	s5 =	rddreg [dreg:$0x0];
	s0 =	stileid.u32;
	s1 =	sand.u32 $0x10, s1  }
0x4: {  	s3 =	rddreg [dreg:$0x1];
	s31 =	simm.s32 $0x2;
	s4 =	sor.u32 s0, s1  }
0x5: {  	s13 =	simm.s32 $0x0;
	s9 =	simm.s32 $0x400;
	s2 =	sshll.u32 s4, $0x7  }
0x6: {  	s10 =	simm.s32 $0x8000;
	s14 =	simm.s32 $0x0;
	s6 =	ssub.s32 $0x1000, s2  }
0x7: {  	s1 =	rddreg [dreg:$0x2];
	_ =	strace $0x8000004A;
	s7 =	sand.u32 $0xF80, s6  }
0x8: {  	s4 =	sshll.u32 s4, $0xB;
	p0 =	sne.s32 s7, $0x0;
	s7 =	simm.s32 $0x1  }
.Ltmp0:
0x9: {  	s6 =	sshrl.u32 s6, $0xC;
	s7 =	simm.s32 @!p0 $0x0;
	(pc) =	sbr.rel .LBB1_1-.Ltmp0, $4  }
0xa: {  	s8 =	sadd.s32 s4, s5;
	s4 =	simm.s32 $0x1;
	s30 =	sadd.s32 s7, s6  }
0xb: {  	s11 =	simm.s32 $0x0;
	[sflag:s4] =	ssyncpa.u1 $0x0;
	s5 =	smul.u32 $0x64, s30  }
0xc: {  	s12 =	simm.s32 $0x0;
	[sflag:s31] =	ssyncpa.u1 $0x0;
	p0 =	por $0x0, $0x0  }
0xd: {  	s6 =	sadd.s32 $0xA00, s8;
	s7 =	sadd.s32 $0x10A00, s8;
	s8 =	sor.u32 $0x1, s5  }
.LBB1_7:
0xe: {  	s15 =	sadd.s32 $0x2, s11  }
0xf: {  	p2 =	sgt.s32 s15, $0xC7  }
0x10: {  	s15 =	simm.s32 @p2 $0x0;
	p2 =	sne.s32 s12, s8  }
.Ltmp1:
0x11: {  	p1 =	slt.u32 s12, $0x2;
	(pc) =	sbr.rel @!p2 .LBB1_8-.Ltmp1, $4  }
0x12: {  	s13 =	simm.s32 @!p1 $0x2  }
0x13: {  	s16 =	sadd.s32 $0x1, s12;
	s14 =	smov.u32 s11;
	_ =	swait.ge @!p1 [sflag:s13], $0x4000  }
0x14: {  	p0 =	por !p0, !p0;
	s12 =	smov.u32 s16;
	[sflag:s13] =	ssyncset.done @!p1 $0x0  }
0x15: {  	s11 =	smov.u32 s15;
	[sflag:s13] =	ssyncadd.s32 @!p1 $0xFFFFC000;
	s13 =	smov.u32 s2  }
.LBB1_1:
0x16: {  	p1 =	sge.u32 s12, s5  }
0x17: {  	s15 =	sxor.u32 @!p1 $0xFFFFFFFF, s12  }
0x18: {  	s16 =	sshll.u32 @!p1 s11, $0x10;
	s18 =	simm.s32 @!p1 $0x40;
	s15 =	sshll.u32 @!p1 s15, $0xE  }
0x19: {  	s19 =	simm.s32 @!p1 $0x80;
	s17 =	sadd.s32 @!p1 s16, s6;
	s15 =	sand.u32 @!p1 $0x4000, s15  }
0x1a: {  	[tilespmem:s15], [sflag:$0x1] =	stream.strided.gather @!p1 [hbm4b:s17+s18], $0x2000, s19, s18, $0x38;
	[tilespmem:$0x10100] =	vst v63  }
0x1b: {  	s31 =	sadd.s32 $0xFFFFFFFF, s12;
	s16 =	sadd.s32 @!p1 s16, s7;
	s15 =	sor.u32 @!p1 $0x2000, s15  }
0x1c: {  	[tilespmem:s15], [sflag:$0x1] =	stream.strided.gather @!p1 [hbm4b:s16+s18], $0x2000, s19, s18, $0x38;
	[tilespmem:$0x10100] =	vst v63  }
0x1d: {  	p1 =	sge.u32 s31, s5  }
.Ltmp2:
0x1e: {  	_ = 	snop;
	(pc) =	sbr.rel @p1 .LBB1_7-.Ltmp2, $1  }
0x1f: {  	_ =	sdelay $0x3  }
0x20: {  	s15 =	simm.s32 $0x1;
	s17 =	sand.u32 $0x1, s12  }
0x21: {  	_ =	swait.ge [sflag:s4], $0x4000;
	s15 =	simm.s32 @!p0 $0x0;
	s17 =	smul.u32 $0x10200, s17  }
0x22: {  	p2 =	por $0x1, $0x1;
	[sflag:s4] =	ssyncset.done $0x0;
	s16 =	smul.u32 $0x10200, s15  }
0x23: {  	s18 =	sshll.u32 s15, $0x10;
	[sflag:s4] =	ssyncadd.s32 $0xFFFFC000;
	s30 =	sshrl.u32 s17, $0x2  }
0x24: {  	s31 =	sshrl.u32 s18, $0x2;
	s18 =	simm.s32 $0x0;
	s16 =	sshrl.u32 s16, $0x2  }
0x25: {  	s15 =	sor.u32 $0x8000, s30;
	s17 =	sadd.s32 $0x20, s31;
	s16 =	sor.u32 $0x8000, s16  }
.LBB1_3:
0x26: {  	s19 =	sshll.u32 s18, $0xD  }
0x27: {  	s19 =	sand.u32 $0x3FFFE000, s19  }
0x28: {  	s21 =	sadd.s32 s19, s17  }
0x29: {  	s31 =	smul.u32 $0x8100, s18;
	v3 =	vld [tilespmem:s21+$0x10]  }
0x2a: {  	v1 =	vld [tilespmem:s21+$0xFFFFFFF0]  }
0x2b: {  	s18 =	sshra.s32 s31, $0x2;
	v0 =	vld [tilespmem:s21+$0x0]  }
0x2c: {  	s18 =	sadd.s32 s18, s16;
	v2 =	vld [tilespmem:s21+$0xFFFFFFE0]  }
0x2d: {  	s19 =	sadd.s32 $0x0, s18  }
0x2e: {  	p1 =	por p2, p2;
	s20 =	simm.s32 $0x4;
	s21 =	sadd.s32 $0x40, s21;
	[tilespmem:s19+$0x1830 ss:$0x81] =	vst.msk $0xffff, v3  }
.LBB1_4:
0x2f: {  	v3 =	vld [tilespmem:s21+$0x10];
	p2 =	sne.s32 s20, $0x1FC;
	[tilespmem:s19+$0x810 ss:$0x81] =	vst.msk $0xffff, v1;
	s22 =	smov.u32 s20;
	s20 =	sadd.s32 $0x4, s20  }
.Ltmp3:
0x30: {  	v1 =	vld [tilespmem:s21+$0xFFFFFFF0];
	[tilespmem:s19+$0x1020 ss:$0x81] =	vst.msk $0xffff, v0;
	(pc) =	sbr.rel @p2 .LBB1_4-.Ltmp3, $4  }
0x31: {  	v0 =	vld [tilespmem:s21+$0x0];
	[tilespmem:s19+$0x0 ss:$0x81] =	vst.msk $0xffff, v2  }
0x32: {  	s19 =	sshra.s32 s22, $0x2;
	v2 =	vld [tilespmem:s21+$0xFFFFFFE0]  }
0x33: {  	s19 =	sadd.s32 s19, s18  }
0x34: {  	s21 =	sadd.s32 $0x40, s21;
	[tilespmem:s19+$0x1830 ss:$0x81] =	vst.msk $0xffff, v3  }
.Ltmp4:
0x35: {  	(pc) =	sbr.rel @p1 .LBB1_3-.Ltmp4, $4  }
0x36: {  	_ = 	snop  }
0x37: {  	[tilespmem:s19+$0x810 ss:$0x81] =	vst.msk $0xffff, v1  }
0x38: {  	[tilespmem:s19+$0x1020 ss:$0x81] =	vst.msk $0xffff, v0  }
0x39: {  	s18 =	simm.s32 $0x1;
	p2 =	por $0x0, $0x0;
	[tilespmem:s19+$0x0 ss:$0x81] =	vst.msk $0xffff, v2  }
.Ltmp5:
0x3a: {  	(pc) =	sbr.rel .LBB1_7-.Ltmp5, $4  }
0x3b: {  	s14 =	sshll.u32 s14, $0xF  }
0x3c: {  	s14 =	sadd.s32 s3, s14  }
0x3d: {  	s13 =	sadd.s32 s13, s14  }
0x3e: {  	[hbm4b:s13+s9] =	stream.strided.scatter [tilespmem:s15], [sflag:$0x2], $0x4000, s10, s9, $0x20;
	[tilespmem:$0x10100] =	vst v63  }
.LBB1_8:
0x3f: {  	_ =	sfence.sel $0x180000  }
0x40: {  	s2 =	simm.s32 $0x1;
	[bflag:$0x0] =	sbarrier.arrive $0xFFFF  }
0x41: {  	s31 =	simm.s32 $0x2;
	[sflag:s2] =	ssyncpa.u1 $0x1  }
0x42: {  	[sflag:s31] =	ssyncpa.u1 $0x1  }
0x43: {  	p0 =	sne.s32 s0, $0x0;
	_ =	strace $0x9000004A  }
0x44: {  	s0 =	sadd.s32 @!p0 $0x100000, s1;
	[bflag:$0x2] =	sbarrier.arrive $0xFFFF  }
0x45: {  	[sflag:s0] =	ssyncadd.tile.s32 @!p0 $0x1;
	_ =	shalt  }
.Lfunc_end1:
_tile_overlayer_lowered:
.L_overlay_start_2:
0x46: {  	(tag) =	ssettag $0x2  }
0x47: {  	s0 =	rddreg [dreg:$0x0];
	s2 =	stileid.u32  }
0x48: {  	s1 =	rddreg [dreg:$0x1];
	p0 =	sne.s32 s2, $0x0  }
0x49: {  	s3 =	rddreg [dreg:$0x2];
	[bflag:$0x3] =	sbarrier.arrive $0xFFFF;
	s2 =	simm.s32 @!p0 $0x1C01  }
0x4a: {  	[timem:s3], [sflag:s2] =	dma.local @!p0 [hbm:s0], s1  }
0x4b: {  	s0 =	simm.s32 @!p0 $0x1  }
0x4c: {  	_ =	swait.ge @!p0 [sflag:s0], s1  }
0x4d: {  	s1 =	ssub.s32 @!p0 $0x0, s1;
	[sflag:s0] =	ssyncset.done @!p0 $0x0  }
0x4e: {  	[sflag:s0] =	ssyncadd.s32 @!p0 s1  }
0x4f: {  	[bflag:$0x3] =	sbarrier.arrive $0xFFFF  }
0x50: {  	_ =	shalt  }

</sc_bundles>
